<compile_context>
chip_gen: v7x
topology: tpu7x:2x2x1
jax: 0.10.2.dev20260603
libtpu: 0.0.44.dev20260713+nightly
codegen_flags: <defaults>
</compile_context>

<pallas_src>
import functools

import jax
import jax.numpy as jnp
from jax import lax
from jax.experimental import pallas as pl
from jax.experimental.pallas import tpu as pltpu
from jax.experimental.pallas import tpu_sc as plsc

BATCH = 4096
T = 200
D = 64
LANES = 16

NC = 2
NS = 16
NW = NC * NS

FLAT = BATCH * T
ROWS_PER_W = FLAT // NW
SUB = 128
UNIT = 256
NUNITS = ROWS_PER_W // UNIT
KU = UNIT // SUB
BLKS = BATCH // UNIT

_mesh = plsc.VectorSubcoreMesh(core_axis_name="c", subcore_axis_name="s")


@functools.partial(
    pl.kernel,
    out_type=jax.ShapeDtypeStruct((T, D // 8, BATCH // SUB, 8, SUB), jnp.float32),
    mesh=_mesh,
    compiler_params=pltpu.CompilerParams(
        use_tc_tiling_on_sc=False, needs_layout_passes=False
    ),
    scratch_types=[
        pltpu.VMEM((ROWS_PER_W // SUB, SUB), jnp.int32),
        pltpu.VMEM((2, UNIT, D), jnp.float32),
        pltpu.VMEM((2, 8, KU, 8, SUB + 1), jnp.float32),
        pltpu.VMEM((T, D), jnp.float32),
        pltpu.SemaphoreType.DMA,
        pltpu.SemaphoreType.DMA,
        pltpu.SemaphoreType.DMA,
        pltpu.SemaphoreType.DMA,
    ],
)
def _emb_lookup(x_hbm, tab_hbm, pemb_hbm, out_hbm, idx_v, rows_v, out_v,
                pemb_v, gsem0, gsem1, ssem0, ssem1):
    wid = lax.axis_index("s") * NC + lax.axis_index("c")
    gsems = (gsem0, gsem1)
    ssems = (ssem0, ssem1)
    pltpu.sync_copy(pemb_hbm, pemb_v)
    pltpu.sync_copy(x_hbm.at[wid], idx_v)

    io = lax.iota(jnp.int32, 16)
    gvs = [(16 * c + io) >> 3 for c in range(D // LANES)]
    dvs = [(16 * c + io) & 7 for c in range(D // LANES)]

    def fire_gathers(n, s):
        for j in range(KU):
            pltpu.make_async_copy(
                tab_hbm.at[idx_v.at[KU * n + j]],
                rows_v.at[s, pl.ds(j * SUB, SUB)],
                gsems[s],
            ).start()

    def drain_gathers(n, s):
        for j in range(KU):
            pltpu.make_async_copy(
                tab_hbm.at[idx_v.at[KU * n + j]],
                rows_v.at[s, pl.ds(j * SUB, SUB)],
                gsems[s],
            ).wait()

    def scatter_desc(n, s):
        u = wid * NUNITS + n
        t = u // BLKS
        blk = u % BLKS
        return pltpu.make_async_copy(
            out_v.at[s, :, :, :, pl.ds(0, SUB)],
            out_hbm.at[t, :, pl.ds(blk * KU, KU)],
            ssems[s],
        )

    fire_gathers(0, 0)

    def do_pair(p, carry):
        for s in range(2):
            n = 2 * p + s
            u = wid * NUNITS + n
            t = u // BLKS

            @pl.when(n + 1 < NUNITS)
            def _():
                fire_gathers(n + 1, 1 - s)

            drain_gathers(n, s)

            @pl.when(n >= 2)
            def _():
                scatter_desc(n, s).wait()

            pvs = [pemb_v[t, pl.ds(16 * c, 16)] for c in range(D // LANES)]

            @plsc.parallel_loop(0, UNIT, unroll=2)
            def _(bb, s=s):
                k2 = lax.broadcast(bb >> 7, (16,))
                col = lax.broadcast(bb & 127, (16,))
                for c in range(D // LANES):
                    val = rows_v[s, bb, pl.ds(16 * c, 16)] + pvs[c]
                    plsc.store_scatter(out_v.at[s], [gvs[c], k2, dvs[c], col], val)

            scatter_desc(n, s).start()
        return carry

    lax.fori_loop(0, NUNITS // 2, do_pair, 0)
    scatter_desc(NUNITS - 2, 0).wait()
    scatter_desc(NUNITS - 1, 1).wait()


def kernel(x, t_emb, p_emb):
    xw = x.T.astype(jnp.int32).reshape(NW, ROWS_PER_W // SUB, SUB)
    out5 = _emb_lookup(xw, t_emb, p_emb)
    return jnp.transpose(out5, (2, 4, 0, 1, 3)).reshape(BATCH, T, D)

# --- scband reference (transcript-rebuilt; emitter-appended) ---
"""Pipeline reference for scband-embedding-25855703122625 (READ-ONLY COPY).

The authoritative reference and input builder live on the scoring server;
editing this copy changes nothing except your own understanding.
"""

import jax, jax.numpy as jnp
import numpy as np

VOCAB = 1000000
D = 64
N_TOKENS = 200
BATCH = 4096

def setup_inputs(seed: int = 0) -> dict:
    key = jax.random.key(seed)
    k1, k2 = jax.random.split(key)
    x = jax.random.randint(k1, (BATCH, N_TOKENS), 0, VOCAB, dtype=jnp.int64 if jax.config.jax_enable_x64 else jnp.int32)
    t_emb = jax.random.normal(k2, (VOCAB, D), dtype=jnp.float32) * 0.02
    p_emb = jnp.zeros((N_TOKENS, D), dtype=jnp.float32)
    return {"x": x, "t_emb": t_emb, "p_emb": p_emb}

def reference(x, t_emb, p_emb):
    # t_emb(x) -> gather rows; + positional embedding broadcast over batch
    tok = jnp.take(t_emb, x, axis=0)            # [B, n_tokens, d]
    return tok + p_emb[None, :, :]              # [B, n_tokens, d]

if __name__ == "__main__":
    import jax
    _d = setup_inputs()
    print(jax.jit(kernel)(*tuple(_d.values())))

</pallas_src>

<mosaic_0001>
#map = affine_map<(d0, d1) -> (0, 0, 0)>
#map1 = affine_map<(d0, d1) -> (0, 0)>
#map2 = affine_map<(d0, d1) -> (0, 0, 0, 0, 0)>
module attributes {stable_mosaic.version = 14 : i64} {
  func.func @_emb_lookup(%arg0: i32, %arg1: i32, %arg2: memref<32x200x128xi32, #tpu.memory_space<hbm>>, %arg3: memref<1000000x64xf32, #tpu.memory_space<hbm>>, %arg4: memref<200x64xf32, #tpu.memory_space<hbm>>, %arg5: memref<200x8x32x8x128xf32, #tpu.memory_space<hbm>>, %arg6: memref<200x128xi32, #tpu.memory_space<vmem>>, %arg7: memref<2x256x64xf32, #tpu.memory_space<vmem>>, %arg8: memref<2x8x2x8x129xf32, #tpu.memory_space<vmem>>, %arg9: memref<200x64xf32, #tpu.memory_space<vmem>>, %arg10: memref<!tpu.dma_semaphore, #tpu.memory_space<semaphore_mem>>, %arg11: memref<!tpu.dma_semaphore, #tpu.memory_space<semaphore_mem>>, %arg12: memref<!tpu.dma_semaphore, #tpu.memory_space<semaphore_mem>>, %arg13: memref<!tpu.dma_semaphore, #tpu.memory_space<semaphore_mem>>) attributes {dimension_semantics = [#tpu.dimension_semantics<core_parallel>, #tpu.dimension_semantics<subcore_parallel>], iteration_bounds = array<i64: 2, 16>, scalar_prefetch = 0 : i64, scratch_operands = 8 : i64, tpu.core_type = #tpu.core_type<sc_vector_subcore>, window_params = [{transform_indices = #map}, {transform_indices = #map1}, {transform_indices = #map1}, {transform_indices = #map2}]} {
    %mul3A = arith.constant 2 : i32
    %mul3A_0 = arith.muli %arg1, %mul3A : i32
    %add3A = arith.addi %mul3A_0, %arg0 : i32
    "tpu.region"() ({
      %run_scoped3A = tpu.sem_alloc : memref<!tpu.dma_semaphore, #tpu.memory_space<semaphore_mem>>
      tpu.enqueue_dma source(%arg4 : memref<200x64xf32, #tpu.memory_space<hbm>>) target(%arg9 : memref<200x64xf32, #tpu.memory_space<vmem>>) target_semaphore(%run_scoped3A : memref<!tpu.dma_semaphore, #tpu.memory_space<semaphore_mem>>)
      tpu.wait_dma2 semaphore(%run_scoped3A : memref<!tpu.dma_semaphore, #tpu.memory_space<semaphore_mem>>) src(%arg4 : memref<200x64xf32, #tpu.memory_space<hbm>>) dst(%arg9 : memref<200x64xf32, #tpu.memory_space<vmem>>)
      tpu.yield
    }) : () -> ()
    "tpu.region"() ({
      %run_scoped3A = tpu.sem_alloc : memref<!tpu.dma_semaphore, #tpu.memory_space<semaphore_mem>>
      %dma_start3A_203 = arith.constant 0 : i32
      %dma_start3A_204 = arith.constant 0 : i32
      %dma_start3A_205 = tpu.memref_slice %arg2[%add3A, %dma_start3A_203, %dma_start3A_204] : memref<32x200x128xi32, #tpu.memory_space<hbm>> -> memref<1x200x128xi32, #tpu.memory_space<hbm>>
      %dma_start3A_206 = tpu.memref_squeeze %dma_start3A_205 : memref<1x200x128xi32, #tpu.memory_space<hbm>> -> memref<200x128xi32, #tpu.memory_space<hbm>>
      %dma_start3A_207 = arith.constant 0 : i32
      %dma_start3A_208 = arith.constant 0 : i32
      %dma_start3A_209 = tpu.memref_slice %arg2[%add3A, %dma_start3A_207, %dma_start3A_208] : memref<32x200x128xi32, #tpu.memory_space<hbm>> -> memref<1x200x128xi32, #tpu.memory_space<hbm>>
      %dma_start3A_210 = tpu.memref_squeeze %dma_start3A_209 : memref<1x200x128xi32, #tpu.memory_space<hbm>> -> memref<200x128xi32, #tpu.memory_space<hbm>>
      tpu.enqueue_dma source(%dma_start3A_210 : memref<200x128xi32, #tpu.memory_space<hbm>>) target(%arg6 : memref<200x128xi32, #tpu.memory_space<vmem>>) target_semaphore(%run_scoped3A : memref<!tpu.dma_semaphore, #tpu.memory_space<semaphore_mem>>)
      %dma_wait3A_211 = arith.constant 0 : i32
      %dma_wait3A_212 = arith.constant 0 : i32
      %dma_wait3A_213 = tpu.memref_slice %arg2[%add3A, %dma_wait3A_211, %dma_wait3A_212] : memref<32x200x128xi32, #tpu.memory_space<hbm>> -> memref<1x200x128xi32, #tpu.memory_space<hbm>>
      %dma_wait3A_214 = tpu.memref_squeeze %dma_wait3A_213 : memref<1x200x128xi32, #tpu.memory_space<hbm>> -> memref<200x128xi32, #tpu.memory_space<hbm>>
      %dma_wait3A_215 = arith.constant 0 : i32
      %dma_wait3A_216 = arith.constant 0 : i32
      %dma_wait3A_217 = tpu.memref_slice %arg2[%add3A, %dma_wait3A_215, %dma_wait3A_216] : memref<32x200x128xi32, #tpu.memory_space<hbm>> -> memref<1x200x128xi32, #tpu.memory_space<hbm>>
      %dma_wait3A_218 = tpu.memref_squeeze %dma_wait3A_217 : memref<1x200x128xi32, #tpu.memory_space<hbm>> -> memref<200x128xi32, #tpu.memory_space<hbm>>
      tpu.wait_dma2 semaphore(%run_scoped3A : memref<!tpu.dma_semaphore, #tpu.memory_space<semaphore_mem>>) src(%dma_wait3A_218 : memref<200x128xi32, #tpu.memory_space<hbm>>) dst(%arg6 : memref<200x128xi32, #tpu.memory_space<vmem>>)
      tpu.yield
    }) : () -> ()
    %iota3A = tpu.iota {dimensions = array<i32: 0>} : vector<16xi32>
    %add3A_1 = arith.constant 0 : i32
    %add3A_2 = vector.broadcast %add3A_1 : i32 to vector<16xi32>
    %add3A_3 = arith.addi %add3A_2, %iota3A : vector<16xi32>
    %shift_right_arithmetic3A = arith.constant 3 : i32
    %shift_right_arithmetic3A_4 = vector.broadcast %shift_right_arithmetic3A : i32 to vector<16xi32>
    %shift_right_arithmetic3A_5 = arith.shrsi %add3A_3, %shift_right_arithmetic3A_4 : vector<16xi32>
    %add3A_6 = arith.constant 16 : i32
    %add3A_7 = vector.broadcast %add3A_6 : i32 to vector<16xi32>
    %add3A_8 = arith.addi %add3A_7, %iota3A : vector<16xi32>
    %shift_right_arithmetic3A_9 = arith.constant 3 : i32
    %shift_right_arithmetic3A_10 = vector.broadcast %shift_right_arithmetic3A_9 : i32 to vector<16xi32>
    %shift_right_arithmetic3A_11 = arith.shrsi %add3A_8, %shift_right_arithmetic3A_10 : vector<16xi32>
    %add3A_12 = arith.constant 32 : i32
    %add3A_13 = vector.broadcast %add3A_12 : i32 to vector<16xi32>
    %add3A_14 = arith.addi %add3A_13, %iota3A : vector<16xi32>
    %shift_right_arithmetic3A_15 = arith.constant 3 : i32
    %shift_right_arithmetic3A_16 = vector.broadcast %shift_right_arithmetic3A_15 : i32 to vector<16xi32>
    %shift_right_arithmetic3A_17 = arith.shrsi %add3A_14, %shift_right_arithmetic3A_16 : vector<16xi32>
    %add3A_18 = arith.constant 48 : i32
    %add3A_19 = vector.broadcast %add3A_18 : i32 to vector<16xi32>
    %add3A_20 = arith.addi %add3A_19, %iota3A : vector<16xi32>
    %shift_right_arithmetic3A_21 = arith.constant 3 : i32
    %shift_right_arithmetic3A_22 = vector.broadcast %shift_right_arithmetic3A_21 : i32 to vector<16xi32>
    %shift_right_arithmetic3A_23 = arith.shrsi %add3A_20, %shift_right_arithmetic3A_22 : vector<16xi32>
    %add3A_24 = arith.constant 0 : i32
    %add3A_25 = vector.broadcast %add3A_24 : i32 to vector<16xi32>
    %add3A_26 = arith.addi %add3A_25, %iota3A : vector<16xi32>
    %and3A = arith.constant 7 : i32
    %and3A_27 = vector.broadcast %and3A : i32 to vector<16xi32>
    %and3A_28 = arith.andi %add3A_26, %and3A_27 : vector<16xi32>
    %add3A_29 = arith.constant 16 : i32
    %add3A_30 = vector.broadcast %add3A_29 : i32 to vector<16xi32>
    %add3A_31 = arith.addi %add3A_30, %iota3A : vector<16xi32>
    %and3A_32 = arith.constant 7 : i32
    %and3A_33 = vector.broadcast %and3A_32 : i32 to vector<16xi32>
    %and3A_34 = arith.andi %add3A_31, %and3A_33 : vector<16xi32>
    %add3A_35 = arith.constant 32 : i32
    %add3A_36 = vector.broadcast %add3A_35 : i32 to vector<16xi32>
    %add3A_37 = arith.addi %add3A_36, %iota3A : vector<16xi32>
    %and3A_38 = arith.constant 7 : i32
    %and3A_39 = vector.broadcast %and3A_38 : i32 to vector<16xi32>
    %and3A_40 = arith.andi %add3A_37, %and3A_39 : vector<16xi32>
    %add3A_41 = arith.constant 48 : i32
    %add3A_42 = vector.broadcast %add3A_41 : i32 to vector<16xi32>
    %add3A_43 = arith.addi %add3A_42, %iota3A : vector<16xi32>
    %and3A_44 = arith.constant 7 : i32
    %and3A_45 = vector.broadcast %and3A_44 : i32 to vector<16xi32>
    %and3A_46 = arith.andi %add3A_43, %and3A_45 : vector<16xi32>
    %dma_start3A = arith.constant 0 : i32
    %dma_start3A_47 = arith.constant 0 : i32
    %dma_start3A_48 = arith.constant 0 : i32
    %dma_start3A_49 = arith.constant 0 : i32
    %dma_start3A_50 = tpu.memref_slice %arg7[%dma_start3A_47, %dma_start3A_48, %dma_start3A_49] : memref<2x256x64xf32, #tpu.memory_space<vmem>> -> memref<1x128x64xf32, #tpu.memory_space<vmem>>
    %dma_start3A_51 = tpu.memref_squeeze %dma_start3A_50 : memref<1x128x64xf32, #tpu.memory_space<vmem>> -> memref<128x64xf32, #tpu.memory_space<vmem>>
    %dma_start3A_52 = arith.constant 0 : i32
    %dma_start3A_53 = tpu.memref_slice %arg6[%dma_start3A, %dma_start3A_52] : memref<200x128xi32, #tpu.memory_space<vmem>> -> memref<1x128xi32, #tpu.memory_space<vmem>>
    %dma_start3A_54 = tpu.memref_squeeze %dma_start3A_53 : memref<1x128xi32, #tpu.memory_space<vmem>> -> memref<128xi32, #tpu.memory_space<vmem>>
    %dma_start3A_55 = arith.constant 0 : i32
    %dma_start3A_56 = arith.constant 0 : i32
    %dma_start3A_57 = tpu.memref_slice %arg3[%dma_start3A_55, %dma_start3A_56] : memref<1000000x64xf32, #tpu.memory_space<hbm>> -> memref<1000000x64xf32, #tpu.memory_space<hbm>>
    tpu.enqueue_indirect_dma source(%dma_start3A_57 : memref<1000000x64xf32, #tpu.memory_space<hbm>>) target(%dma_start3A_51 : memref<128x64xf32, #tpu.memory_space<vmem>>) offsets(%dma_start3A_54 : memref<128xi32, #tpu.memory_space<vmem>>) semaphore(%arg10 : memref<!tpu.dma_semaphore, #tpu.memory_space<semaphore_mem>>)
    %dma_start3A_58 = arith.constant 1 : i32
    %dma_start3A_59 = arith.constant 0 : i32
    %dma_start3A_60 = arith.constant 128 : i32
    %dma_start3A_61 = arith.constant 0 : i32
    %dma_start3A_62 = tpu.memref_slice %arg7[%dma_start3A_59, %dma_start3A_60, %dma_start3A_61] : memref<2x256x64xf32, #tpu.memory_space<vmem>> -> memref<1x128x64xf32, #tpu.memory_space<vmem>>
    %dma_start3A_63 = tpu.memref_squeeze %dma_start3A_62 : memref<1x128x64xf32, #tpu.memory_space<vmem>> -> memref<128x64xf32, #tpu.memory_space<vmem>>
    %dma_start3A_64 = arith.constant 0 : i32
    %dma_start3A_65 = tpu.memref_slice %arg6[%dma_start3A_58, %dma_start3A_64] : memref<200x128xi32, #tpu.memory_space<vmem>> -> memref<1x128xi32, #tpu.memory_space<vmem>>
    %dma_start3A_66 = tpu.memref_squeeze %dma_start3A_65 : memref<1x128xi32, #tpu.memory_space<vmem>> -> memref<128xi32, #tpu.memory_space<vmem>>
    %dma_start3A_67 = arith.constant 0 : i32
    %dma_start3A_68 = arith.constant 0 : i32
    %dma_start3A_69 = tpu.memref_slice %arg3[%dma_start3A_67, %dma_start3A_68] : memref<1000000x64xf32, #tpu.memory_space<hbm>> -> memref<1000000x64xf32, #tpu.memory_space<hbm>>
    tpu.enqueue_indirect_dma source(%dma_start3A_69 : memref<1000000x64xf32, #tpu.memory_space<hbm>>) target(%dma_start3A_63 : memref<128x64xf32, #tpu.memory_space<vmem>>) offsets(%dma_start3A_66 : memref<128xi32, #tpu.memory_space<vmem>>) semaphore(%arg10 : memref<!tpu.dma_semaphore, #tpu.memory_space<semaphore_mem>>)
    %scan3A = arith.constant 0 : i32
    %scan3A_70 = arith.constant 0 : i32
    %scan3A_71 = arith.constant 50 : i32
    %scan3A_72 = arith.addi %scan3A_70, %scan3A_71 : i32
    %scan3A_73 = arith.constant 1 : i32
    scf.for %scan3A_203 = %scan3A_70 to %scan3A_72 step %scan3A_73  : i32 {
      %mul3A_204 = arith.constant 2 : i32
      %mul3A_205 = arith.muli %mul3A_204, %scan3A_203 : i32
      %add3A_206 = arith.constant 0 : i32
      %add3A_207 = arith.addi %mul3A_205, %add3A_206 : i32
      %mul3A_208 = arith.constant 100 : i32
      %mul3A_209 = arith.muli %add3A, %mul3A_208 : i32
      %add3A_210 = arith.addi %mul3A_209, %add3A_207 : i32
      %jit3A_211 = arith.constant 16 : i32
      %div3A_212 = arith.divsi %add3A_210, %jit3A_211 : i32
      %sign3A_213 = arith.constant 0 : i32
      %sign3A_214 = arith.cmpi sgt, %add3A_210, %sign3A_213 : i32
      %sign3A_215 = arith.extui %sign3A_214 : i1 to i32
      %sign3A_216 = arith.constant 0 : i32
      %sign3A_217 = arith.cmpi slt, %add3A_210, %sign3A_216 : i32
      %sign3A_218 = arith.extui %sign3A_217 : i1 to i32
      %sign3A_219 = arith.subi %sign3A_215, %sign3A_218 : i32
      %sign3A_220 = arith.constant 0 : i32
      %sign3A_221 = arith.cmpi sgt, %jit3A_211, %sign3A_220 : i32
      %sign3A_222 = arith.extui %sign3A_221 : i1 to i32
      %sign3A_223 = arith.constant 0 : i32
      %sign3A_224 = arith.cmpi slt, %jit3A_211, %sign3A_223 : i32
      %sign3A_225 = arith.extui %sign3A_224 : i1 to i32
      %sign3A_226 = arith.subi %sign3A_222, %sign3A_225 : i32
      %ne3A_227 = arith.cmpi ne, %sign3A_219, %sign3A_226 : i32
      %rem3A_228 = arith.remsi %add3A_210, %jit3A_211 : i32
      %ne3A_229 = arith.constant 0 : i32
      %ne3A_230 = arith.cmpi ne, %rem3A_228, %ne3A_229 : i32
      %and3A_231 = arith.andi %ne3A_227, %ne3A_230 : i1
      %sub3A_232 = arith.constant 1 : i32
      %sub3A_233 = arith.subi %div3A_212, %sub3A_232 : i32
      %select_n3A_234 = arith.select %and3A_231, %sub3A_233, %div3A_212 : i32
      %add3A_235 = arith.constant 1 : i32
      %add3A_236 = arith.addi %add3A_207, %add3A_235 : i32
      %lt3A_237 = arith.constant 100 : i32
      %lt3A_238 = arith.cmpi slt, %add3A_236, %lt3A_237 : i32
      %convert_element_type3A = arith.extui %lt3A_238 : i1 to i32
      %cond3A = arith.constant 0 : i32
      %cond3A_239 = arith.cmpi ne, %convert_element_type3A, %cond3A : i32
      scf.if %cond3A_239 {
        %add3A_511 = arith.constant 1 : i32
        %add3A_512 = arith.addi %add3A_207, %add3A_511 : i32
        %mul3A_513 = arith.constant 2 : i32
        %mul3A_514 = arith.muli %mul3A_513, %add3A_512 : i32
        %add3A_515 = arith.constant 0 : i32
        %add3A_516 = arith.addi %mul3A_514, %add3A_515 : i32
        %dma_start3A_517 = arith.constant 1 : i32
        %dma_start3A_518 = arith.constant 0 : i32
        %dma_start3A_519 = arith.constant 0 : i32
        %dma_start3A_520 = tpu.memref_slice %arg7[%dma_start3A_517, %dma_start3A_518, %dma_start3A_519] : memref<2x256x64xf32, #tpu.memory_space<vmem>> -> memref<1x128x64xf32, #tpu.memory_space<vmem>>
        %dma_start3A_521 = tpu.memref_squeeze %dma_start3A_520 : memref<1x128x64xf32, #tpu.memory_space<vmem>> -> memref<128x64xf32, #tpu.memory_space<vmem>>
        %dma_start3A_522 = arith.constant 0 : i32
        %dma_start3A_523 = tpu.memref_slice %arg6[%add3A_516, %dma_start3A_522] : memref<200x128xi32, #tpu.memory_space<vmem>> -> memref<1x128xi32, #tpu.memory_space<vmem>>
        %dma_start3A_524 = tpu.memref_squeeze %dma_start3A_523 : memref<1x128xi32, #tpu.memory_space<vmem>> -> memref<128xi32, #tpu.memory_space<vmem>>
        %dma_start3A_525 = arith.constant 0 : i32
        %dma_start3A_526 = arith.constant 0 : i32
        %dma_start3A_527 = tpu.memref_slice %arg3[%dma_start3A_525, %dma_start3A_526] : memref<1000000x64xf32, #tpu.memory_space<hbm>> -> memref<1000000x64xf32, #tpu.memory_space<hbm>>
        tpu.enqueue_indirect_dma source(%dma_start3A_527 : memref<1000000x64xf32, #tpu.memory_space<hbm>>) target(%dma_start3A_521 : memref<128x64xf32, #tpu.memory_space<vmem>>) offsets(%dma_start3A_524 : memref<128xi32, #tpu.memory_space<vmem>>) semaphore(%arg11 : memref<!tpu.dma_semaphore, #tpu.memory_space<semaphore_mem>>)
        %mul3A_528 = arith.constant 2 : i32
        %mul3A_529 = arith.muli %mul3A_528, %add3A_512 : i32
        %add3A_530 = arith.constant 1 : i32
        %add3A_531 = arith.addi %mul3A_529, %add3A_530 : i32
        %dma_start3A_532 = arith.constant 1 : i32
        %dma_start3A_533 = arith.constant 128 : i32
        %dma_start3A_534 = arith.constant 0 : i32
        %dma_start3A_535 = tpu.memref_slice %arg7[%dma_start3A_532, %dma_start3A_533, %dma_start3A_534] : memref<2x256x64xf32, #tpu.memory_space<vmem>> -> memref<1x128x64xf32, #tpu.memory_space<vmem>>
        %dma_start3A_536 = tpu.memref_squeeze %dma_start3A_535 : memref<1x128x64xf32, #tpu.memory_space<vmem>> -> memref<128x64xf32, #tpu.memory_space<vmem>>
        %dma_start3A_537 = arith.constant 0 : i32
        %dma_start3A_538 = tpu.memref_slice %arg6[%add3A_531, %dma_start3A_537] : memref<200x128xi32, #tpu.memory_space<vmem>> -> memref<1x128xi32, #tpu.memory_space<vmem>>
        %dma_start3A_539 = tpu.memref_squeeze %dma_start3A_538 : memref<1x128xi32, #tpu.memory_space<vmem>> -> memref<128xi32, #tpu.memory_space<vmem>>
        %dma_start3A_540 = arith.constant 0 : i32
        %dma_start3A_541 = arith.constant 0 : i32
        %dma_start3A_542 = tpu.memref_slice %arg3[%dma_start3A_540, %dma_start3A_541] : memref<1000000x64xf32, #tpu.memory_space<hbm>> -> memref<1000000x64xf32, #tpu.memory_space<hbm>>
        tpu.enqueue_indirect_dma source(%dma_start3A_542 : memref<1000000x64xf32, #tpu.memory_space<hbm>>) target(%dma_start3A_536 : memref<128x64xf32, #tpu.memory_space<vmem>>) offsets(%dma_start3A_539 : memref<128xi32, #tpu.memory_space<vmem>>) semaphore(%arg11 : memref<!tpu.dma_semaphore, #tpu.memory_space<semaphore_mem>>)
      } else {
      }
      %mul3A_240 = arith.constant 2 : i32
      %mul3A_241 = arith.muli %mul3A_240, %add3A_207 : i32
      %add3A_242 = arith.constant 0 : i32
      %add3A_243 = arith.addi %mul3A_241, %add3A_242 : i32
      %dma_wait3A_244 = arith.constant 0 : i32
      %dma_wait3A_245 = arith.constant 0 : i32
      %dma_wait3A_246 = arith.constant 0 : i32
      %dma_wait3A_247 = tpu.memref_slice %arg7[%dma_wait3A_244, %dma_wait3A_245, %dma_wait3A_246] : memref<2x256x64xf32, #tpu.memory_space<vmem>> -> memref<1x128x64xf32, #tpu.memory_space<vmem>>
      %dma_wait3A_248 = tpu.memref_squeeze %dma_wait3A_247 : memref<1x128x64xf32, #tpu.memory_space<vmem>> -> memref<128x64xf32, #tpu.memory_space<vmem>>
      %dma_wait3A_249 = arith.constant 0 : i32
      %dma_wait3A_250 = tpu.memref_slice %arg6[%add3A_243, %dma_wait3A_249] : memref<200x128xi32, #tpu.memory_space<vmem>> -> memref<1x128xi32, #tpu.memory_space<vmem>>
      %dma_wait3A_251 = tpu.memref_squeeze %dma_wait3A_250 : memref<1x128xi32, #tpu.memory_space<vmem>> -> memref<128xi32, #tpu.memory_space<vmem>>
      %dma_wait3A_252 = arith.constant 0 : i32
      %dma_wait3A_253 = arith.constant 0 : i32
      %dma_wait3A_254 = tpu.memref_slice %arg3[%dma_wait3A_252, %dma_wait3A_253] : memref<1000000x64xf32, #tpu.memory_space<hbm>> -> memref<1000000x64xf32, #tpu.memory_space<hbm>>
      tpu.wait_indirect_dma semaphore(%arg10 : memref<!tpu.dma_semaphore, #tpu.memory_space<semaphore_mem>>) src(%dma_wait3A_254 : memref<1000000x64xf32, #tpu.memory_space<hbm>>) dst(%dma_wait3A_248 : memref<128x64xf32, #tpu.memory_space<vmem>>)
      %mul3A_255 = arith.constant 2 : i32
      %mul3A_256 = arith.muli %mul3A_255, %add3A_207 : i32
      %add3A_257 = arith.constant 1 : i32
      %add3A_258 = arith.addi %mul3A_256, %add3A_257 : i32
      %dma_wait3A_259 = arith.constant 0 : i32
      %dma_wait3A_260 = arith.constant 128 : i32
      %dma_wait3A_261 = arith.constant 0 : i32
      %dma_wait3A_262 = tpu.memref_slice %arg7[%dma_wait3A_259, %dma_wait3A_260, %dma_wait3A_261] : memref<2x256x64xf32, #tpu.memory_space<vmem>> -> memref<1x128x64xf32, #tpu.memory_space<vmem>>
      %dma_wait3A_263 = tpu.memref_squeeze %dma_wait3A_262 : memref<1x128x64xf32, #tpu.memory_space<vmem>> -> memref<128x64xf32, #tpu.memory_space<vmem>>
      %dma_wait3A_264 = arith.constant 0 : i32
      %dma_wait3A_265 = tpu.memref_slice %arg6[%add3A_258, %dma_wait3A_264] : memref<200x128xi32, #tpu.memory_space<vmem>> -> memref<1x128xi32, #tpu.memory_space<vmem>>
      %dma_wait3A_266 = tpu.memref_squeeze %dma_wait3A_265 : memref<1x128xi32, #tpu.memory_space<vmem>> -> memref<128xi32, #tpu.memory_space<vmem>>
      %dma_wait3A_267 = arith.constant 0 : i32
      %dma_wait3A_268 = arith.constant 0 : i32
      %dma_wait3A_269 = tpu.memref_slice %arg3[%dma_wait3A_267, %dma_wait3A_268] : memref<1000000x64xf32, #tpu.memory_space<hbm>> -> memref<1000000x64xf32, #tpu.memory_space<hbm>>
      tpu.wait_indirect_dma semaphore(%arg10 : memref<!tpu.dma_semaphore, #tpu.memory_space<semaphore_mem>>) src(%dma_wait3A_269 : memref<1000000x64xf32, #tpu.memory_space<hbm>>) dst(%dma_wait3A_263 : memref<128x64xf32, #tpu.memory_space<vmem>>)
      %ge3A = arith.constant 2 : i32
      %ge3A_270 = arith.cmpi sge, %add3A_207, %ge3A : i32
      %convert_element_type3A_271 = arith.extui %ge3A_270 : i1 to i32
      %cond3A_272 = arith.constant 0 : i32
      %cond3A_273 = arith.cmpi ne, %convert_element_type3A_271, %cond3A_272 : i32
      scf.if %cond3A_273 {
        %mul3A_511 = arith.constant 100 : i32
        %mul3A_512 = arith.muli %add3A, %mul3A_511 : i32
        %add3A_513 = arith.addi %mul3A_512, %add3A_207 : i32
        %jit3A_514 = arith.constant 16 : i32
        %div3A_515 = arith.divsi %add3A_513, %jit3A_514 : i32
        %sign3A_516 = arith.constant 0 : i32
        %sign3A_517 = arith.cmpi sgt, %add3A_513, %sign3A_516 : i32
        %sign3A_518 = arith.extui %sign3A_517 : i1 to i32
        %sign3A_519 = arith.constant 0 : i32
        %sign3A_520 = arith.cmpi slt, %add3A_513, %sign3A_519 : i32
        %sign3A_521 = arith.extui %sign3A_520 : i1 to i32
        %sign3A_522 = arith.subi %sign3A_518, %sign3A_521 : i32
        %sign3A_523 = arith.constant 0 : i32
        %sign3A_524 = arith.cmpi sgt, %jit3A_514, %sign3A_523 : i32
        %sign3A_525 = arith.extui %sign3A_524 : i1 to i32
        %sign3A_526 = arith.constant 0 : i32
        %sign3A_527 = arith.cmpi slt, %jit3A_514, %sign3A_526 : i32
        %sign3A_528 = arith.extui %sign3A_527 : i1 to i32
        %sign3A_529 = arith.subi %sign3A_525, %sign3A_528 : i32
        %ne3A_530 = arith.cmpi ne, %sign3A_522, %sign3A_529 : i32
        %rem3A_531 = arith.remsi %add3A_513, %jit3A_514 : i32
        %ne3A_532 = arith.constant 0 : i32
        %ne3A_533 = arith.cmpi ne, %rem3A_531, %ne3A_532 : i32
        %and3A_534 = arith.andi %ne3A_530, %ne3A_533 : i1
        %sub3A_535 = arith.constant 1 : i32
        %sub3A_536 = arith.subi %div3A_515, %sub3A_535 : i32
        %select_n3A_537 = arith.select %and3A_534, %sub3A_536, %div3A_515 : i32
        %jit3A_538 = arith.constant 16 : i32
        %eq3A_539 = arith.constant 0 : i32
        %eq3A_540 = arith.cmpi eq, %jit3A_538, %eq3A_539 : i32
        %jit3A_541 = arith.constant 1 : i32
        %select_n3A_542 = arith.select %eq3A_540, %jit3A_541, %jit3A_538 : i32
        %rem3A_543 = arith.remsi %add3A_513, %select_n3A_542 : i32
        %ne3A_544 = arith.constant 0 : i32
        %ne3A_545 = arith.cmpi ne, %rem3A_543, %ne3A_544 : i32
        %lt3A_546 = arith.constant 0 : i32
        %lt3A_547 = arith.cmpi slt, %rem3A_543, %lt3A_546 : i32
        %lt3A_548 = arith.constant 0 : i32
        %lt3A_549 = arith.cmpi slt, %select_n3A_542, %lt3A_548 : i32
        %ne3A_550 = arith.xori %lt3A_547, %lt3A_549 : i1
        %and3A_551 = arith.andi %ne3A_550, %ne3A_545 : i1
        %add3A_552 = arith.addi %rem3A_543, %select_n3A_542 : i32
        %select_n3A_553 = arith.select %and3A_551, %add3A_552, %rem3A_543 : i32
        %mul3A_554 = arith.constant 2 : i32
        %mul3A_555 = arith.muli %select_n3A_553, %mul3A_554 : i32
        %dma_wait3A_556 = arith.constant 0 : i32
        %dma_wait3A_557 = arith.constant 0 : i32
        %dma_wait3A_558 = arith.constant 0 : i32
        %dma_wait3A_559 = arith.constant 0 : i32
        %dma_wait3A_560 = arith.constant 0 : i32
        %dma_wait3A_561 = tpu.memref_slice %arg8[%dma_wait3A_556, %dma_wait3A_557, %dma_wait3A_558, %dma_wait3A_559, %dma_wait3A_560] : memref<2x8x2x8x129xf32, #tpu.memory_space<vmem>> -> memref<1x8x2x8x128xf32, #tpu.memory_space<vmem>>
        %dma_wait3A_562 = tpu.memref_squeeze %dma_wait3A_561 : memref<1x8x2x8x128xf32, #tpu.memory_space<vmem>> -> memref<8x2x8x128xf32, #tpu.memory_space<vmem>>
        %dma_wait3A_563 = arith.constant 0 : i32
        %dma_wait3A_564 = arith.constant 0 : i32
        %dma_wait3A_565 = arith.constant 0 : i32
        %dma_wait3A_566 = tpu.memref_slice %arg5[%select_n3A_537, %dma_wait3A_563, %mul3A_555, %dma_wait3A_564, %dma_wait3A_565] : memref<200x8x32x8x128xf32, #tpu.memory_space<hbm>> -> memref<1x8x2x8x128xf32, #tpu.memory_space<hbm>>
        %dma_wait3A_567 = tpu.memref_squeeze %dma_wait3A_566 : memref<1x8x2x8x128xf32, #tpu.memory_space<hbm>> -> memref<8x2x8x128xf32, #tpu.memory_space<hbm>>
        %dma_wait3A_568 = arith.constant 0 : i32
        %dma_wait3A_569 = arith.constant 0 : i32
        %dma_wait3A_570 = arith.constant 0 : i32
        %dma_wait3A_571 = tpu.memref_slice %arg5[%select_n3A_537, %dma_wait3A_568, %mul3A_555, %dma_wait3A_569, %dma_wait3A_570] : memref<200x8x32x8x128xf32, #tpu.memory_space<hbm>> -> memref<1x8x2x8x128xf32, #tpu.memory_space<hbm>>
        %dma_wait3A_572 = tpu.memref_squeeze %dma_wait3A_571 : memref<1x8x2x8x128xf32, #tpu.memory_space<hbm>> -> memref<8x2x8x128xf32, #tpu.memory_space<hbm>>
        %dma_wait3A_573 = arith.constant 0 : i32
        %dma_wait3A_574 = arith.constant 0 : i32
        %dma_wait3A_575 = arith.constant 0 : i32
        %dma_wait3A_576 = arith.constant 0 : i32
        %dma_wait3A_577 = tpu.memref_slice %arg8[%dma_wait3A_556, %dma_wait3A_573, %dma_wait3A_574, %dma_wait3A_575, %dma_wait3A_576] : memref<2x8x2x8x129xf32, #tpu.memory_space<vmem>> -> memref<1x8x2x8x128xf32, #tpu.memory_space<vmem>>
        %dma_wait3A_578 = tpu.memref_squeeze %dma_wait3A_577 : memref<1x8x2x8x128xf32, #tpu.memory_space<vmem>> -> memref<8x2x8x128xf32, #tpu.memory_space<vmem>>
        tpu.wait_dma2 semaphore(%arg12 : memref<!tpu.dma_semaphore, #tpu.memory_space<semaphore_mem>>) src(%dma_wait3A_578 : memref<8x2x8x128xf32, #tpu.memory_space<vmem>>) dst(%dma_wait3A_572 : memref<8x2x8x128xf32, #tpu.memory_space<hbm>>)
      } else {
      }
      %get3A = arith.index_cast %select_n3A_234 : i32 to index
      %get3A_274 = arith.constant 0 : index
      %get3A_275 = tpu.vector_load %arg9[%get3A, %get3A_274] {strides = array<i32>} : memref<200x64xf32, #tpu.memory_space<vmem>>, vector<16xf32>,
      %get3A_276 = arith.index_cast %select_n3A_234 : i32 to index
      %get3A_277 = arith.constant 16 : index
      %get3A_278 = tpu.vector_load %arg9[%get3A_276, %get3A_277] {strides = array<i32>} : memref<200x64xf32, #tpu.memory_space<vmem>>, vector<16xf32>,
      %get3A_279 = arith.index_cast %select_n3A_234 : i32 to index
      %get3A_280 = arith.constant 32 : index
      %get3A_281 = tpu.vector_load %arg9[%get3A_279, %get3A_280] {strides = array<i32>} : memref<200x64xf32, #tpu.memory_space<vmem>>, vector<16xf32>,
      %get3A_282 = arith.index_cast %select_n3A_234 : i32 to index
      %get3A_283 = arith.constant 48 : index
      %get3A_284 = tpu.vector_load %arg9[%get3A_282, %get3A_283] {strides = array<i32>} : memref<200x64xf32, #tpu.memory_space<vmem>>, vector<16xf32>,
      %parallel_loop3A = arith.constant 0 : i32
      %parallel_loop3A_285 = arith.constant 256 : i32
      %parallel_loop3A_286 = arith.constant 1 : i32
      scf.for %parallel_loop3A_511 = %parallel_loop3A to %parallel_loop3A_285 step %parallel_loop3A_286  : i32 {
        %parallel_loop3A_512 = arith.constant 7 : i32
        %parallel_loop3A_513 = arith.shrsi %parallel_loop3A_511, %parallel_loop3A_512 : i32
        %parallel_loop3A_514 = vector.broadcast %parallel_loop3A_513 : i32 to vector<16xi32>
        %parallel_loop3A_515 = arith.constant 127 : i32
        %parallel_loop3A_516 = arith.andi %parallel_loop3A_511, %parallel_loop3A_515 : i32
        %parallel_loop3A_517 = vector.broadcast %parallel_loop3A_516 : i32 to vector<16xi32>
        %parallel_loop3A_518 = arith.constant 0 : i32
        %parallel_loop3A_519 = arith.index_cast %parallel_loop3A_518 : i32 to index
        %parallel_loop3A_520 = arith.index_cast %parallel_loop3A_511 : i32 to index
        %parallel_loop3A_521 = arith.constant 0 : index
        %parallel_loop3A_522 = tpu.vector_load %arg7[%parallel_loop3A_519, %parallel_loop3A_520, %parallel_loop3A_521] {strides = array<i32>} : memref<2x256x64xf32, #tpu.memory_space<vmem>>, vector<16xf32>,
        %parallel_loop3A_523 = arith.addf %parallel_loop3A_522, %get3A_275 : vector<16xf32>
        %parallel_loop3A_524 = arith.constant 0 : i32
        %parallel_loop3A_525 = arith.constant 0 : i32
        %parallel_loop3A_526 = arith.constant 0 : i32
        %parallel_loop3A_527 = arith.constant 0 : i32
        %parallel_loop3A_528 = arith.constant 0 : i32
        %parallel_loop3A_529 = tpu.memref_slice %arg8[%parallel_loop3A_524, %parallel_loop3A_525, %parallel_loop3A_526, %parallel_loop3A_527, %parallel_loop3A_528] : memref<2x8x2x8x129xf32, #tpu.memory_space<vmem>> -> memref<1x8x2x8x129xf32, #tpu.memory_space<vmem>>
        %parallel_loop3A_530 = tpu.memref_squeeze %parallel_loop3A_529 : memref<1x8x2x8x129xf32, #tpu.memory_space<vmem>> -> memref<8x2x8x129xf32, #tpu.memory_space<vmem>>
        tpu.vector_store_idx %parallel_loop3A_530[%shift_right_arithmetic3A_5, %parallel_loop3A_514, %and3A_28, %parallel_loop3A_517], %parallel_loop3A_523 : memref<8x2x8x129xf32, #tpu.memory_space<vmem>>[vector<16xi32>, vector<16xi32>, vector<16xi32>, vector<16xi32>], vector<16xf32>,
        %parallel_loop3A_531 = arith.constant 0 : i32
        %parallel_loop3A_532 = arith.index_cast %parallel_loop3A_531 : i32 to index
        %parallel_loop3A_533 = arith.index_cast %parallel_loop3A_511 : i32 to index
        %parallel_loop3A_534 = arith.constant 16 : index
        %parallel_loop3A_535 = tpu.vector_load %arg7[%parallel_loop3A_532, %parallel_loop3A_533, %parallel_loop3A_534] {strides = array<i32>} : memref<2x256x64xf32, #tpu.memory_space<vmem>>, vector<16xf32>,
        %parallel_loop3A_536 = arith.addf %parallel_loop3A_535, %get3A_278 : vector<16xf32>
        %parallel_loop3A_537 = arith.constant 0 : i32
        %parallel_loop3A_538 = arith.constant 0 : i32
        %parallel_loop3A_539 = arith.constant 0 : i32
        %parallel_loop3A_540 = arith.constant 0 : i32
        %parallel_loop3A_541 = arith.constant 0 : i32
        %parallel_loop3A_542 = tpu.memref_slice %arg8[%parallel_loop3A_537, %parallel_loop3A_538, %parallel_loop3A_539, %parallel_loop3A_540, %parallel_loop3A_541] : memref<2x8x2x8x129xf32, #tpu.memory_space<vmem>> -> memref<1x8x2x8x129xf32, #tpu.memory_space<vmem>>
        %parallel_loop3A_543 = tpu.memref_squeeze %parallel_loop3A_542 : memref<1x8x2x8x129xf32, #tpu.memory_space<vmem>> -> memref<8x2x8x129xf32, #tpu.memory_space<vmem>>
        tpu.vector_store_idx %parallel_loop3A_543[%shift_right_arithmetic3A_11, %parallel_loop3A_514, %and3A_34, %parallel_loop3A_517], %parallel_loop3A_536 : memref<8x2x8x129xf32, #tpu.memory_space<vmem>>[vector<16xi32>, vector<16xi32>, vector<16xi32>, vector<16xi32>], vector<16xf32>,
        %parallel_loop3A_544 = arith.constant 0 : i32
        %parallel_loop3A_545 = arith.index_cast %parallel_loop3A_544 : i32 to index
        %parallel_loop3A_546 = arith.index_cast %parallel_loop3A_511 : i32 to index
        %parallel_loop3A_547 = arith.constant 32 : index
        %parallel_loop3A_548 = tpu.vector_load %arg7[%parallel_loop3A_545, %parallel_loop3A_546, %parallel_loop3A_547] {strides = array<i32>} : memref<2x256x64xf32, #tpu.memory_space<vmem>>, vector<16xf32>,
        %parallel_loop3A_549 = arith.addf %parallel_loop3A_548, %get3A_281 : vector<16xf32>
        %parallel_loop3A_550 = arith.constant 0 : i32
        %parallel_loop3A_551 = arith.constant 0 : i32
        %parallel_loop3A_552 = arith.constant 0 : i32
        %parallel_loop3A_553 = arith.constant 0 : i32
        %parallel_loop3A_554 = arith.constant 0 : i32
        %parallel_loop3A_555 = tpu.memref_slice %arg8[%parallel_loop3A_550, %parallel_loop3A_551, %parallel_loop3A_552, %parallel_loop3A_553, %parallel_loop3A_554] : memref<2x8x2x8x129xf32, #tpu.memory_space<vmem>> -> memref<1x8x2x8x129xf32, #tpu.memory_space<vmem>>
        %parallel_loop3A_556 = tpu.memref_squeeze %parallel_loop3A_555 : memref<1x8x2x8x129xf32, #tpu.memory_space<vmem>> -> memref<8x2x8x129xf32, #tpu.memory_space<vmem>>
        tpu.vector_store_idx %parallel_loop3A_556[%shift_right_arithmetic3A_17, %parallel_loop3A_514, %and3A_40, %parallel_loop3A_517], %parallel_loop3A_549 : memref<8x2x8x129xf32, #tpu.memory_space<vmem>>[vector<16xi32>, vector<16xi32>, vector<16xi32>, vector<16xi32>], vector<16xf32>,
        %parallel_loop3A_557 = arith.constant 0 : i32
        %parallel_loop3A_558 = arith.index_cast %parallel_loop3A_557 : i32 to index
        %parallel_loop3A_559 = arith.index_cast %parallel_loop3A_511 : i32 to index
        %parallel_loop3A_560 = arith.constant 48 : index
        %parallel_loop3A_561 = tpu.vector_load %arg7[%parallel_loop3A_558, %parallel_loop3A_559, %parallel_loop3A_560] {strides = array<i32>} : memref<2x256x64xf32, #tpu.memory_space<vmem>>, vector<16xf32>,
        %parallel_loop3A_562 = arith.addf %parallel_loop3A_561, %get3A_284 : vector<16xf32>
        %parallel_loop3A_563 = arith.constant 0 : i32
        %parallel_loop3A_564 = arith.constant 0 : i32
        %parallel_loop3A_565 = arith.constant 0 : i32
        %parallel_loop3A_566 = arith.constant 0 : i32
        %parallel_loop3A_567 = arith.constant 0 : i32
        %parallel_loop3A_568 = tpu.memref_slice %arg8[%parallel_loop3A_563, %parallel_loop3A_564, %parallel_loop3A_565, %parallel_loop3A_566, %parallel_loop3A_567] : memref<2x8x2x8x129xf32, #tpu.memory_space<vmem>> -> memref<1x8x2x8x129xf32, #tpu.memory_space<vmem>>
        %parallel_loop3A_569 = tpu.memref_squeeze %parallel_loop3A_568 : memref<1x8x2x8x129xf32, #tpu.memory_space<vmem>> -> memref<8x2x8x129xf32, #tpu.memory_space<vmem>>
        tpu.vector_store_idx %parallel_loop3A_569[%shift_right_arithmetic3A_23, %parallel_loop3A_514, %and3A_46, %parallel_loop3A_517], %parallel_loop3A_562 : memref<8x2x8x129xf32, #tpu.memory_space<vmem>>[vector<16xi32>, vector<16xi32>, vector<16xi32>, vector<16xi32>], vector<16xf32>,
      } {sc.loop_unroll_factor = 2 : i64, sc.parallel_access}
      %mul3A_287 = arith.constant 100 : i32
      %mul3A_288 = arith.muli %add3A, %mul3A_287 : i32
      %add3A_289 = arith.addi %mul3A_288, %add3A_207 : i32
      %jit3A_290 = arith.constant 16 : i32
      %div3A_291 = arith.divsi %add3A_289, %jit3A_290 : i32
      %sign3A_292 = arith.constant 0 : i32
      %sign3A_293 = arith.cmpi sgt, %add3A_289, %sign3A_292 : i32
      %sign3A_294 = arith.extui %sign3A_293 : i1 to i32
      %sign3A_295 = arith.constant 0 : i32
      %sign3A_296 = arith.cmpi slt, %add3A_289, %sign3A_295 : i32
      %sign3A_297 = arith.extui %sign3A_296 : i1 to i32
      %sign3A_298 = arith.subi %sign3A_294, %sign3A_297 : i32
      %sign3A_299 = arith.constant 0 : i32
      %sign3A_300 = arith.cmpi sgt, %jit3A_290, %sign3A_299 : i32
      %sign3A_301 = arith.extui %sign3A_300 : i1 to i32
      %sign3A_302 = arith.constant 0 : i32
      %sign3A_303 = arith.cmpi slt, %jit3A_290, %sign3A_302 : i32
      %sign3A_304 = arith.extui %sign3A_303 : i1 to i32
      %sign3A_305 = arith.subi %sign3A_301, %sign3A_304 : i32
      %ne3A_306 = arith.cmpi ne, %sign3A_298, %sign3A_305 : i32
      %rem3A_307 = arith.remsi %add3A_289, %jit3A_290 : i32
      %ne3A_308 = arith.constant 0 : i32
      %ne3A_309 = arith.cmpi ne, %rem3A_307, %ne3A_308 : i32
      %and3A_310 = arith.andi %ne3A_306, %ne3A_309 : i1
      %sub3A_311 = arith.constant 1 : i32
      %sub3A_312 = arith.subi %div3A_291, %sub3A_311 : i32
      %select_n3A_313 = arith.select %and3A_310, %sub3A_312, %div3A_291 : i32
      %jit3A_314 = arith.constant 16 : i32
      %eq3A_315 = arith.constant 0 : i32
      %eq3A_316 = arith.cmpi eq, %jit3A_314, %eq3A_315 : i32
      %jit3A_317 = arith.constant 1 : i32
      %select_n3A_318 = arith.select %eq3A_316, %jit3A_317, %jit3A_314 : i32
      %rem3A_319 = arith.remsi %add3A_289, %select_n3A_318 : i32
      %ne3A_320 = arith.constant 0 : i32
      %ne3A_321 = arith.cmpi ne, %rem3A_319, %ne3A_320 : i32
      %lt3A_322 = arith.constant 0 : i32
      %lt3A_323 = arith.cmpi slt, %rem3A_319, %lt3A_322 : i32
      %lt3A_324 = arith.constant 0 : i32
      %lt3A_325 = arith.cmpi slt, %select_n3A_318, %lt3A_324 : i32
      %ne3A_326 = arith.xori %lt3A_323, %lt3A_325 : i1
      %and3A_327 = arith.andi %ne3A_326, %ne3A_321 : i1
      %add3A_328 = arith.addi %rem3A_319, %select_n3A_318 : i32
      %select_n3A_329 = arith.select %and3A_327, %add3A_328, %rem3A_319 : i32
      %mul3A_330 = arith.constant 2 : i32
      %mul3A_331 = arith.muli %select_n3A_329, %mul3A_330 : i32
      %dma_start3A_332 = arith.constant 0 : i32
      %dma_start3A_333 = arith.constant 0 : i32
      %dma_start3A_334 = arith.constant 0 : i32
      %dma_start3A_335 = arith.constant 0 : i32
      %dma_start3A_336 = arith.constant 0 : i32
      %dma_start3A_337 = tpu.memref_slice %arg8[%dma_start3A_332, %dma_start3A_333, %dma_start3A_334, %dma_start3A_335, %dma_start3A_336] : memref<2x8x2x8x129xf32, #tpu.memory_space<vmem>> -> memref<1x8x2x8x128xf32, #tpu.memory_space<vmem>>
      %dma_start3A_338 = tpu.memref_squeeze %dma_start3A_337 : memref<1x8x2x8x128xf32, #tpu.memory_space<vmem>> -> memref<8x2x8x128xf32, #tpu.memory_space<vmem>>
      %dma_start3A_339 = arith.constant 0 : i32
      %dma_start3A_340 = arith.constant 0 : i32
      %dma_start3A_341 = arith.constant 0 : i32
      %dma_start3A_342 = tpu.memref_slice %arg5[%select_n3A_313, %dma_start3A_339, %mul3A_331, %dma_start3A_340, %dma_start3A_341] : memref<200x8x32x8x128xf32, #tpu.memory_space<hbm>> -> memref<1x8x2x8x128xf32, #tpu.memory_space<hbm>>
      %dma_start3A_343 = tpu.memref_squeeze %dma_start3A_342 : memref<1x8x2x8x128xf32, #tpu.memory_space<hbm>> -> memref<8x2x8x128xf32, #tpu.memory_space<hbm>>
      %dma_start3A_344 = arith.constant 0 : i32
      %dma_start3A_345 = arith.constant 0 : i32
      %dma_start3A_346 = arith.constant 0 : i32
      %dma_start3A_347 = tpu.memref_slice %arg5[%select_n3A_313, %dma_start3A_344, %mul3A_331, %dma_start3A_345, %dma_start3A_346] : memref<200x8x32x8x128xf32, #tpu.memory_space<hbm>> -> memref<1x8x2x8x128xf32, #tpu.memory_space<hbm>>
      %dma_start3A_348 = tpu.memref_squeeze %dma_start3A_347 : memref<1x8x2x8x128xf32, #tpu.memory_space<hbm>> -> memref<8x2x8x128xf32, #tpu.memory_space<hbm>>
      %dma_start3A_349 = arith.constant 0 : i32
      %dma_start3A_350 = arith.constant 0 : i32
      %dma_start3A_351 = arith.constant 0 : i32
      %dma_start3A_352 = arith.constant 0 : i32
      %dma_start3A_353 = tpu.memref_slice %arg8[%dma_start3A_332, %dma_start3A_349, %dma_start3A_350, %dma_start3A_351, %dma_start3A_352] : memref<2x8x2x8x129xf32, #tpu.memory_space<vmem>> -> memref<1x8x2x8x128xf32, #tpu.memory_space<vmem>>
      %dma_start3A_354 = tpu.memref_squeeze %dma_start3A_353 : memref<1x8x2x8x128xf32, #tpu.memory_space<vmem>> -> memref<8x2x8x128xf32, #tpu.memory_space<vmem>>
      tpu.enqueue_dma source(%dma_start3A_354 : memref<8x2x8x128xf32, #tpu.memory_space<vmem>>) target(%dma_start3A_348 : memref<8x2x8x128xf32, #tpu.memory_space<hbm>>) target_semaphore(%arg12 : memref<!tpu.dma_semaphore, #tpu.memory_space<semaphore_mem>>)
      %mul3A_355 = arith.constant 2 : i32
      %mul3A_356 = arith.muli %mul3A_355, %scan3A_203 : i32
      %add3A_357 = arith.constant 1 : i32
      %add3A_358 = arith.addi %mul3A_356, %add3A_357 : i32
      %mul3A_359 = arith.constant 100 : i32
      %mul3A_360 = arith.muli %add3A, %mul3A_359 : i32
      %add3A_361 = arith.addi %mul3A_360, %add3A_358 : i32
      %jit3A_362 = arith.constant 16 : i32
      %div3A_363 = arith.divsi %add3A_361, %jit3A_362 : i32
      %sign3A_364 = arith.constant 0 : i32
      %sign3A_365 = arith.cmpi sgt, %add3A_361, %sign3A_364 : i32
      %sign3A_366 = arith.extui %sign3A_365 : i1 to i32
      %sign3A_367 = arith.constant 0 : i32
      %sign3A_368 = arith.cmpi slt, %add3A_361, %sign3A_367 : i32
      %sign3A_369 = arith.extui %sign3A_368 : i1 to i32
      %sign3A_370 = arith.subi %sign3A_366, %sign3A_369 : i32
      %sign3A_371 = arith.constant 0 : i32
      %sign3A_372 = arith.cmpi sgt, %jit3A_362, %sign3A_371 : i32
      %sign3A_373 = arith.extui %sign3A_372 : i1 to i32
      %sign3A_374 = arith.constant 0 : i32
      %sign3A_375 = arith.cmpi slt, %jit3A_362, %sign3A_374 : i32
      %sign3A_376 = arith.extui %sign3A_375 : i1 to i32
      %sign3A_377 = arith.subi %sign3A_373, %sign3A_376 : i32
      %ne3A_378 = arith.cmpi ne, %sign3A_370, %sign3A_377 : i32
      %rem3A_379 = arith.remsi %add3A_361, %jit3A_362 : i32
      %ne3A_380 = arith.constant 0 : i32
      %ne3A_381 = arith.cmpi ne, %rem3A_379, %ne3A_380 : i32
      %and3A_382 = arith.andi %ne3A_378, %ne3A_381 : i1
      %sub3A_383 = arith.constant 1 : i32
      %sub3A_384 = arith.subi %div3A_363, %sub3A_383 : i32
      %select_n3A_385 = arith.select %and3A_382, %sub3A_384, %div3A_363 : i32
      %add3A_386 = arith.constant 1 : i32
      %add3A_387 = arith.addi %add3A_358, %add3A_386 : i32
      %lt3A_388 = arith.constant 100 : i32
      %lt3A_389 = arith.cmpi slt, %add3A_387, %lt3A_388 : i32
      %convert_element_type3A_390 = arith.extui %lt3A_389 : i1 to i32
      %cond3A_391 = arith.constant 0 : i32
      %cond3A_392 = arith.cmpi ne, %convert_element_type3A_390, %cond3A_391 : i32
      scf.if %cond3A_392 {
        %add3A_511 = arith.constant 1 : i32
        %add3A_512 = arith.addi %add3A_358, %add3A_511 : i32
        %mul3A_513 = arith.constant 2 : i32
        %mul3A_514 = arith.muli %mul3A_513, %add3A_512 : i32
        %add3A_515 = arith.constant 0 : i32
        %add3A_516 = arith.addi %mul3A_514, %add3A_515 : i32
        %dma_start3A_517 = arith.constant 0 : i32
        %dma_start3A_518 = arith.constant 0 : i32
        %dma_start3A_519 = arith.constant 0 : i32
        %dma_start3A_520 = tpu.memref_slice %arg7[%dma_start3A_517, %dma_start3A_518, %dma_start3A_519] : memref<2x256x64xf32, #tpu.memory_space<vmem>> -> memref<1x128x64xf32, #tpu.memory_space<vmem>>
        %dma_start3A_521 = tpu.memref_squeeze %dma_start3A_520 : memref<1x128x64xf32, #tpu.memory_space<vmem>> -> memref<128x64xf32, #tpu.memory_space<vmem>>
        %dma_start3A_522 = arith.constant 0 : i32
        %dma_start3A_523 = tpu.memref_slice %arg6[%add3A_516, %dma_start3A_522] : memref<200x128xi32, #tpu.memory_space<vmem>> -> memref<1x128xi32, #tpu.memory_space<vmem>>
        %dma_start3A_524 = tpu.memref_squeeze %dma_start3A_523 : memref<1x128xi32, #tpu.memory_space<vmem>> -> memref<128xi32, #tpu.memory_space<vmem>>
        %dma_start3A_525 = arith.constant 0 : i32
        %dma_start3A_526 = arith.constant 0 : i32
        %dma_start3A_527 = tpu.memref_slice %arg3[%dma_start3A_525, %dma_start3A_526] : memref<1000000x64xf32, #tpu.memory_space<hbm>> -> memref<1000000x64xf32, #tpu.memory_space<hbm>>
        tpu.enqueue_indirect_dma source(%dma_start3A_527 : memref<1000000x64xf32, #tpu.memory_space<hbm>>) target(%dma_start3A_521 : memref<128x64xf32, #tpu.memory_space<vmem>>) offsets(%dma_start3A_524 : memref<128xi32, #tpu.memory_space<vmem>>) semaphore(%arg10 : memref<!tpu.dma_semaphore, #tpu.memory_space<semaphore_mem>>)
        %mul3A_528 = arith.constant 2 : i32
        %mul3A_529 = arith.muli %mul3A_528, %add3A_512 : i32
        %add3A_530 = arith.constant 1 : i32
        %add3A_531 = arith.addi %mul3A_529, %add3A_530 : i32
        %dma_start3A_532 = arith.constant 0 : i32
        %dma_start3A_533 = arith.constant 128 : i32
        %dma_start3A_534 = arith.constant 0 : i32
        %dma_start3A_535 = tpu.memref_slice %arg7[%dma_start3A_532, %dma_start3A_533, %dma_start3A_534] : memref<2x256x64xf32, #tpu.memory_space<vmem>> -> memref<1x128x64xf32, #tpu.memory_space<vmem>>
        %dma_start3A_536 = tpu.memref_squeeze %dma_start3A_535 : memref<1x128x64xf32, #tpu.memory_space<vmem>> -> memref<128x64xf32, #tpu.memory_space<vmem>>
        %dma_start3A_537 = arith.constant 0 : i32
        %dma_start3A_538 = tpu.memref_slice %arg6[%add3A_531, %dma_start3A_537] : memref<200x128xi32, #tpu.memory_space<vmem>> -> memref<1x128xi32, #tpu.memory_space<vmem>>
        %dma_start3A_539 = tpu.memref_squeeze %dma_start3A_538 : memref<1x128xi32, #tpu.memory_space<vmem>> -> memref<128xi32, #tpu.memory_space<vmem>>
        %dma_start3A_540 = arith.constant 0 : i32
        %dma_start3A_541 = arith.constant 0 : i32
        %dma_start3A_542 = tpu.memref_slice %arg3[%dma_start3A_540, %dma_start3A_541] : memref<1000000x64xf32, #tpu.memory_space<hbm>> -> memref<1000000x64xf32, #tpu.memory_space<hbm>>
        tpu.enqueue_indirect_dma source(%dma_start3A_542 : memref<1000000x64xf32, #tpu.memory_space<hbm>>) target(%dma_start3A_536 : memref<128x64xf32, #tpu.memory_space<vmem>>) offsets(%dma_start3A_539 : memref<128xi32, #tpu.memory_space<vmem>>) semaphore(%arg10 : memref<!tpu.dma_semaphore, #tpu.memory_space<semaphore_mem>>)
      } else {
      }
      %mul3A_393 = arith.constant 2 : i32
      %mul3A_394 = arith.muli %mul3A_393, %add3A_358 : i32
      %add3A_395 = arith.constant 0 : i32
      %add3A_396 = arith.addi %mul3A_394, %add3A_395 : i32
      %dma_wait3A_397 = arith.constant 1 : i32
      %dma_wait3A_398 = arith.constant 0 : i32
      %dma_wait3A_399 = arith.constant 0 : i32
      %dma_wait3A_400 = tpu.memref_slice %arg7[%dma_wait3A_397, %dma_wait3A_398, %dma_wait3A_399] : memref<2x256x64xf32, #tpu.memory_space<vmem>> -> memref<1x128x64xf32, #tpu.memory_space<vmem>>
      %dma_wait3A_401 = tpu.memref_squeeze %dma_wait3A_400 : memref<1x128x64xf32, #tpu.memory_space<vmem>> -> memref<128x64xf32, #tpu.memory_space<vmem>>
      %dma_wait3A_402 = arith.constant 0 : i32
      %dma_wait3A_403 = tpu.memref_slice %arg6[%add3A_396, %dma_wait3A_402] : memref<200x128xi32, #tpu.memory_space<vmem>> -> memref<1x128xi32, #tpu.memory_space<vmem>>
      %dma_wait3A_404 = tpu.memref_squeeze %dma_wait3A_403 : memref<1x128xi32, #tpu.memory_space<vmem>> -> memref<128xi32, #tpu.memory_space<vmem>>
      %dma_wait3A_405 = arith.constant 0 : i32
      %dma_wait3A_406 = arith.constant 0 : i32
      %dma_wait3A_407 = tpu.memref_slice %arg3[%dma_wait3A_405, %dma_wait3A_406] : memref<1000000x64xf32, #tpu.memory_space<hbm>> -> memref<1000000x64xf32, #tpu.memory_space<hbm>>
      tpu.wait_indirect_dma semaphore(%arg11 : memref<!tpu.dma_semaphore, #tpu.memory_space<semaphore_mem>>) src(%dma_wait3A_407 : memref<1000000x64xf32, #tpu.memory_space<hbm>>) dst(%dma_wait3A_401 : memref<128x64xf32, #tpu.memory_space<vmem>>)
      %mul3A_408 = arith.constant 2 : i32
      %mul3A_409 = arith.muli %mul3A_408, %add3A_358 : i32
      %add3A_410 = arith.constant 1 : i32
      %add3A_411 = arith.addi %mul3A_409, %add3A_410 : i32
      %dma_wait3A_412 = arith.constant 1 : i32
      %dma_wait3A_413 = arith.constant 128 : i32
      %dma_wait3A_414 = arith.constant 0 : i32
      %dma_wait3A_415 = tpu.memref_slice %arg7[%dma_wait3A_412, %dma_wait3A_413, %dma_wait3A_414] : memref<2x256x64xf32, #tpu.memory_space<vmem>> -> memref<1x128x64xf32, #tpu.memory_space<vmem>>
      %dma_wait3A_416 = tpu.memref_squeeze %dma_wait3A_415 : memref<1x128x64xf32, #tpu.memory_space<vmem>> -> memref<128x64xf32, #tpu.memory_space<vmem>>
      %dma_wait3A_417 = arith.constant 0 : i32
      %dma_wait3A_418 = tpu.memref_slice %arg6[%add3A_411, %dma_wait3A_417] : memref<200x128xi32, #tpu.memory_space<vmem>> -> memref<1x128xi32, #tpu.memory_space<vmem>>
      %dma_wait3A_419 = tpu.memref_squeeze %dma_wait3A_418 : memref<1x128xi32, #tpu.memory_space<vmem>> -> memref<128xi32, #tpu.memory_space<vmem>>
      %dma_wait3A_420 = arith.constant 0 : i32
      %dma_wait3A_421 = arith.constant 0 : i32
      %dma_wait3A_422 = tpu.memref_slice %arg3[%dma_wait3A_420, %dma_wait3A_421] : memref<1000000x64xf32, #tpu.memory_space<hbm>> -> memref<1000000x64xf32, #tpu.memory_space<hbm>>
      tpu.wait_indirect_dma semaphore(%arg11 : memref<!tpu.dma_semaphore, #tpu.memory_space<semaphore_mem>>) src(%dma_wait3A_422 : memref<1000000x64xf32, #tpu.memory_space<hbm>>) dst(%dma_wait3A_416 : memref<128x64xf32, #tpu.memory_space<vmem>>)
      %ge3A_423 = arith.constant 2 : i32
      %ge3A_424 = arith.cmpi sge, %add3A_358, %ge3A_423 : i32
      %convert_element_type3A_425 = arith.extui %ge3A_424 : i1 to i32
      %cond3A_426 = arith.constant 0 : i32
      %cond3A_427 = arith.cmpi ne, %convert_element_type3A_425, %cond3A_426 : i32
      scf.if %cond3A_427 {
        %mul3A_511 = arith.constant 100 : i32
        %mul3A_512 = arith.muli %add3A, %mul3A_511 : i32
        %add3A_513 = arith.addi %mul3A_512, %add3A_358 : i32
        %jit3A_514 = arith.constant 16 : i32
        %div3A_515 = arith.divsi %add3A_513, %jit3A_514 : i32
        %sign3A_516 = arith.constant 0 : i32
        %sign3A_517 = arith.cmpi sgt, %add3A_513, %sign3A_516 : i32
        %sign3A_518 = arith.extui %sign3A_517 : i1 to i32
        %sign3A_519 = arith.constant 0 : i32
        %sign3A_520 = arith.cmpi slt, %add3A_513, %sign3A_519 : i32
        %sign3A_521 = arith.extui %sign3A_520 : i1 to i32
        %sign3A_522 = arith.subi %sign3A_518, %sign3A_521 : i32
        %sign3A_523 = arith.constant 0 : i32
        %sign3A_524 = arith.cmpi sgt, %jit3A_514, %sign3A_523 : i32
        %sign3A_525 = arith.extui %sign3A_524 : i1 to i32
        %sign3A_526 = arith.constant 0 : i32
        %sign3A_527 = arith.cmpi slt, %jit3A_514, %sign3A_526 : i32
        %sign3A_528 = arith.extui %sign3A_527 : i1 to i32
        %sign3A_529 = arith.subi %sign3A_525, %sign3A_528 : i32
        %ne3A_530 = arith.cmpi ne, %sign3A_522, %sign3A_529 : i32
        %rem3A_531 = arith.remsi %add3A_513, %jit3A_514 : i32
        %ne3A_532 = arith.constant 0 : i32
        %ne3A_533 = arith.cmpi ne, %rem3A_531, %ne3A_532 : i32
        %and3A_534 = arith.andi %ne3A_530, %ne3A_533 : i1
        %sub3A_535 = arith.constant 1 : i32
        %sub3A_536 = arith.subi %div3A_515, %sub3A_535 : i32
        %select_n3A_537 = arith.select %and3A_534, %sub3A_536, %div3A_515 : i32
        %jit3A_538 = arith.constant 16 : i32
        %eq3A_539 = arith.constant 0 : i32
        %eq3A_540 = arith.cmpi eq, %jit3A_538, %eq3A_539 : i32
        %jit3A_541 = arith.constant 1 : i32
        %select_n3A_542 = arith.select %eq3A_540, %jit3A_541, %jit3A_538 : i32
        %rem3A_543 = arith.remsi %add3A_513, %select_n3A_542 : i32
        %ne3A_544 = arith.constant 0 : i32
        %ne3A_545 = arith.cmpi ne, %rem3A_543, %ne3A_544 : i32
        %lt3A_546 = arith.constant 0 : i32
        %lt3A_547 = arith.cmpi slt, %rem3A_543, %lt3A_546 : i32
        %lt3A_548 = arith.constant 0 : i32
        %lt3A_549 = arith.cmpi slt, %select_n3A_542, %lt3A_548 : i32
        %ne3A_550 = arith.xori %lt3A_547, %lt3A_549 : i1
        %and3A_551 = arith.andi %ne3A_550, %ne3A_545 : i1
        %add3A_552 = arith.addi %rem3A_543, %select_n3A_542 : i32
        %select_n3A_553 = arith.select %and3A_551, %add3A_552, %rem3A_543 : i32
        %mul3A_554 = arith.constant 2 : i32
        %mul3A_555 = arith.muli %select_n3A_553, %mul3A_554 : i32
        %dma_wait3A_556 = arith.constant 1 : i32
        %dma_wait3A_557 = arith.constant 0 : i32
        %dma_wait3A_558 = arith.constant 0 : i32
        %dma_wait3A_559 = arith.constant 0 : i32
        %dma_wait3A_560 = arith.constant 0 : i32
        %dma_wait3A_561 = tpu.memref_slice %arg8[%dma_wait3A_556, %dma_wait3A_557, %dma_wait3A_558, %dma_wait3A_559, %dma_wait3A_560] : memref<2x8x2x8x129xf32, #tpu.memory_space<vmem>> -> memref<1x8x2x8x128xf32, #tpu.memory_space<vmem>>
        %dma_wait3A_562 = tpu.memref_squeeze %dma_wait3A_561 : memref<1x8x2x8x128xf32, #tpu.memory_space<vmem>> -> memref<8x2x8x128xf32, #tpu.memory_space<vmem>>
        %dma_wait3A_563 = arith.constant 0 : i32
        %dma_wait3A_564 = arith.constant 0 : i32
        %dma_wait3A_565 = arith.constant 0 : i32
        %dma_wait3A_566 = tpu.memref_slice %arg5[%select_n3A_537, %dma_wait3A_563, %mul3A_555, %dma_wait3A_564, %dma_wait3A_565] : memref<200x8x32x8x128xf32, #tpu.memory_space<hbm>> -> memref<1x8x2x8x128xf32, #tpu.memory_space<hbm>>
        %dma_wait3A_567 = tpu.memref_squeeze %dma_wait3A_566 : memref<1x8x2x8x128xf32, #tpu.memory_space<hbm>> -> memref<8x2x8x128xf32, #tpu.memory_space<hbm>>
        %dma_wait3A_568 = arith.constant 0 : i32
        %dma_wait3A_569 = arith.constant 0 : i32
        %dma_wait3A_570 = arith.constant 0 : i32
        %dma_wait3A_571 = tpu.memref_slice %arg5[%select_n3A_537, %dma_wait3A_568, %mul3A_555, %dma_wait3A_569, %dma_wait3A_570] : memref<200x8x32x8x128xf32, #tpu.memory_space<hbm>> -> memref<1x8x2x8x128xf32, #tpu.memory_space<hbm>>
        %dma_wait3A_572 = tpu.memref_squeeze %dma_wait3A_571 : memref<1x8x2x8x128xf32, #tpu.memory_space<hbm>> -> memref<8x2x8x128xf32, #tpu.memory_space<hbm>>
        %dma_wait3A_573 = arith.constant 0 : i32
        %dma_wait3A_574 = arith.constant 0 : i32
        %dma_wait3A_575 = arith.constant 0 : i32
        %dma_wait3A_576 = arith.constant 0 : i32
        %dma_wait3A_577 = tpu.memref_slice %arg8[%dma_wait3A_556, %dma_wait3A_573, %dma_wait3A_574, %dma_wait3A_575, %dma_wait3A_576] : memref<2x8x2x8x129xf32, #tpu.memory_space<vmem>> -> memref<1x8x2x8x128xf32, #tpu.memory_space<vmem>>
        %dma_wait3A_578 = tpu.memref_squeeze %dma_wait3A_577 : memref<1x8x2x8x128xf32, #tpu.memory_space<vmem>> -> memref<8x2x8x128xf32, #tpu.memory_space<vmem>>
        tpu.wait_dma2 semaphore(%arg13 : memref<!tpu.dma_semaphore, #tpu.memory_space<semaphore_mem>>) src(%dma_wait3A_578 : memref<8x2x8x128xf32, #tpu.memory_space<vmem>>) dst(%dma_wait3A_572 : memref<8x2x8x128xf32, #tpu.memory_space<hbm>>)
      } else {
      }
      %get3A_428 = arith.index_cast %select_n3A_385 : i32 to index
      %get3A_429 = arith.constant 0 : index
      %get3A_430 = tpu.vector_load %arg9[%get3A_428, %get3A_429] {strides = array<i32>} : memref<200x64xf32, #tpu.memory_space<vmem>>, vector<16xf32>,
      %get3A_431 = arith.index_cast %select_n3A_385 : i32 to index
      %get3A_432 = arith.constant 16 : index
      %get3A_433 = tpu.vector_load %arg9[%get3A_431, %get3A_432] {strides = array<i32>} : memref<200x64xf32, #tpu.memory_space<vmem>>, vector<16xf32>,
      %get3A_434 = arith.index_cast %select_n3A_385 : i32 to index
      %get3A_435 = arith.constant 32 : index
      %get3A_436 = tpu.vector_load %arg9[%get3A_434, %get3A_435] {strides = array<i32>} : memref<200x64xf32, #tpu.memory_space<vmem>>, vector<16xf32>,
      %get3A_437 = arith.index_cast %select_n3A_385 : i32 to index
      %get3A_438 = arith.constant 48 : index
      %get3A_439 = tpu.vector_load %arg9[%get3A_437, %get3A_438] {strides = array<i32>} : memref<200x64xf32, #tpu.memory_space<vmem>>, vector<16xf32>,
      %parallel_loop3A_440 = arith.constant 0 : i32
      %parallel_loop3A_441 = arith.constant 256 : i32
      %parallel_loop3A_442 = arith.constant 1 : i32
      scf.for %parallel_loop3A_511 = %parallel_loop3A_440 to %parallel_loop3A_441 step %parallel_loop3A_442  : i32 {
        %parallel_loop3A_512 = arith.constant 7 : i32
        %parallel_loop3A_513 = arith.shrsi %parallel_loop3A_511, %parallel_loop3A_512 : i32
        %parallel_loop3A_514 = vector.broadcast %parallel_loop3A_513 : i32 to vector<16xi32>
        %parallel_loop3A_515 = arith.constant 127 : i32
        %parallel_loop3A_516 = arith.andi %parallel_loop3A_511, %parallel_loop3A_515 : i32
        %parallel_loop3A_517 = vector.broadcast %parallel_loop3A_516 : i32 to vector<16xi32>
        %parallel_loop3A_518 = arith.constant 1 : i32
        %parallel_loop3A_519 = arith.index_cast %parallel_loop3A_518 : i32 to index
        %parallel_loop3A_520 = arith.index_cast %parallel_loop3A_511 : i32 to index
        %parallel_loop3A_521 = arith.constant 0 : index
        %parallel_loop3A_522 = tpu.vector_load %arg7[%parallel_loop3A_519, %parallel_loop3A_520, %parallel_loop3A_521] {strides = array<i32>} : memref<2x256x64xf32, #tpu.memory_space<vmem>>, vector<16xf32>,
        %parallel_loop3A_523 = arith.addf %parallel_loop3A_522, %get3A_430 : vector<16xf32>
        %parallel_loop3A_524 = arith.constant 1 : i32
        %parallel_loop3A_525 = arith.constant 0 : i32
        %parallel_loop3A_526 = arith.constant 0 : i32
        %parallel_loop3A_527 = arith.constant 0 : i32
        %parallel_loop3A_528 = arith.constant 0 : i32
        %parallel_loop3A_529 = tpu.memref_slice %arg8[%parallel_loop3A_524, %parallel_loop3A_525, %parallel_loop3A_526, %parallel_loop3A_527, %parallel_loop3A_528] : memref<2x8x2x8x129xf32, #tpu.memory_space<vmem>> -> memref<1x8x2x8x129xf32, #tpu.memory_space<vmem>>
        %parallel_loop3A_530 = tpu.memref_squeeze %parallel_loop3A_529 : memref<1x8x2x8x129xf32, #tpu.memory_space<vmem>> -> memref<8x2x8x129xf32, #tpu.memory_space<vmem>>
        tpu.vector_store_idx %parallel_loop3A_530[%shift_right_arithmetic3A_5, %parallel_loop3A_514, %and3A_28, %parallel_loop3A_517], %parallel_loop3A_523 : memref<8x2x8x129xf32, #tpu.memory_space<vmem>>[vector<16xi32>, vector<16xi32>, vector<16xi32>, vector<16xi32>], vector<16xf32>,
        %parallel_loop3A_531 = arith.constant 1 : i32
        %parallel_loop3A_532 = arith.index_cast %parallel_loop3A_531 : i32 to index
        %parallel_loop3A_533 = arith.index_cast %parallel_loop3A_511 : i32 to index
        %parallel_loop3A_534 = arith.constant 16 : index
        %parallel_loop3A_535 = tpu.vector_load %arg7[%parallel_loop3A_532, %parallel_loop3A_533, %parallel_loop3A_534] {strides = array<i32>} : memref<2x256x64xf32, #tpu.memory_space<vmem>>, vector<16xf32>,
        %parallel_loop3A_536 = arith.addf %parallel_loop3A_535, %get3A_433 : vector<16xf32>
        %parallel_loop3A_537 = arith.constant 1 : i32
        %parallel_loop3A_538 = arith.constant 0 : i32
        %parallel_loop3A_539 = arith.constant 0 : i32
        %parallel_loop3A_540 = arith.constant 0 : i32
        %parallel_loop3A_541 = arith.constant 0 : i32
        %parallel_loop3A_542 = tpu.memref_slice %arg8[%parallel_loop3A_537, %parallel_loop3A_538, %parallel_loop3A_539, %parallel_loop3A_540, %parallel_loop3A_541] : memref<2x8x2x8x129xf32, #tpu.memory_space<vmem>> -> memref<1x8x2x8x129xf32, #tpu.memory_space<vmem>>
        %parallel_loop3A_543 = tpu.memref_squeeze %parallel_loop3A_542 : memref<1x8x2x8x129xf32, #tpu.memory_space<vmem>> -> memref<8x2x8x129xf32, #tpu.memory_space<vmem>>
        tpu.vector_store_idx %parallel_loop3A_543[%shift_right_arithmetic3A_11, %parallel_loop3A_514, %and3A_34, %parallel_loop3A_517], %parallel_loop3A_536 : memref<8x2x8x129xf32, #tpu.memory_space<vmem>>[vector<16xi32>, vector<16xi32>, vector<16xi32>, vector<16xi32>], vector<16xf32>,
        %parallel_loop3A_544 = arith.constant 1 : i32
        %parallel_loop3A_545 = arith.index_cast %parallel_loop3A_544 : i32 to index
        %parallel_loop3A_546 = arith.index_cast %parallel_loop3A_511 : i32 to index
        %parallel_loop3A_547 = arith.constant 32 : index
        %parallel_loop3A_548 = tpu.vector_load %arg7[%parallel_loop3A_545, %parallel_loop3A_546, %parallel_loop3A_547] {strides = array<i32>} : memref<2x256x64xf32, #tpu.memory_space<vmem>>, vector<16xf32>,
        %parallel_loop3A_549 = arith.addf %parallel_loop3A_548, %get3A_436 : vector<16xf32>
        %parallel_loop3A_550 = arith.constant 1 : i32
        %parallel_loop3A_551 = arith.constant 0 : i32
        %parallel_loop3A_552 = arith.constant 0 : i32
        %parallel_loop3A_553 = arith.constant 0 : i32
        %parallel_loop3A_554 = arith.constant 0 : i32
        %parallel_loop3A_555 = tpu.memref_slice %arg8[%parallel_loop3A_550, %parallel_loop3A_551, %parallel_loop3A_552, %parallel_loop3A_553, %parallel_loop3A_554] : memref<2x8x2x8x129xf32, #tpu.memory_space<vmem>> -> memref<1x8x2x8x129xf32, #tpu.memory_space<vmem>>
        %parallel_loop3A_556 = tpu.memref_squeeze %parallel_loop3A_555 : memref<1x8x2x8x129xf32, #tpu.memory_space<vmem>> -> memref<8x2x8x129xf32, #tpu.memory_space<vmem>>
        tpu.vector_store_idx %parallel_loop3A_556[%shift_right_arithmetic3A_17, %parallel_loop3A_514, %and3A_40, %parallel_loop3A_517], %parallel_loop3A_549 : memref<8x2x8x129xf32, #tpu.memory_space<vmem>>[vector<16xi32>, vector<16xi32>, vector<16xi32>, vector<16xi32>], vector<16xf32>,
        %parallel_loop3A_557 = arith.constant 1 : i32
        %parallel_loop3A_558 = arith.index_cast %parallel_loop3A_557 : i32 to index
        %parallel_loop3A_559 = arith.index_cast %parallel_loop3A_511 : i32 to index
        %parallel_loop3A_560 = arith.constant 48 : index
        %parallel_loop3A_561 = tpu.vector_load %arg7[%parallel_loop3A_558, %parallel_loop3A_559, %parallel_loop3A_560] {strides = array<i32>} : memref<2x256x64xf32, #tpu.memory_space<vmem>>, vector<16xf32>,
        %parallel_loop3A_562 = arith.addf %parallel_loop3A_561, %get3A_439 : vector<16xf32>
        %parallel_loop3A_563 = arith.constant 1 : i32
        %parallel_loop3A_564 = arith.constant 0 : i32
        %parallel_loop3A_565 = arith.constant 0 : i32
        %parallel_loop3A_566 = arith.constant 0 : i32
        %parallel_loop3A_567 = arith.constant 0 : i32
        %parallel_loop3A_568 = tpu.memref_slice %arg8[%parallel_loop3A_563, %parallel_loop3A_564, %parallel_loop3A_565, %parallel_loop3A_566, %parallel_loop3A_567] : memref<2x8x2x8x129xf32, #tpu.memory_space<vmem>> -> memref<1x8x2x8x129xf32, #tpu.memory_space<vmem>>
        %parallel_loop3A_569 = tpu.memref_squeeze %parallel_loop3A_568 : memref<1x8x2x8x129xf32, #tpu.memory_space<vmem>> -> memref<8x2x8x129xf32, #tpu.memory_space<vmem>>
        tpu.vector_store_idx %parallel_loop3A_569[%shift_right_arithmetic3A_23, %parallel_loop3A_514, %and3A_46, %parallel_loop3A_517], %parallel_loop3A_562 : memref<8x2x8x129xf32, #tpu.memory_space<vmem>>[vector<16xi32>, vector<16xi32>, vector<16xi32>, vector<16xi32>], vector<16xf32>,
      } {sc.loop_unroll_factor = 2 : i64, sc.parallel_access}
      %mul3A_443 = arith.constant 100 : i32
      %mul3A_444 = arith.muli %add3A, %mul3A_443 : i32
      %add3A_445 = arith.addi %mul3A_444, %add3A_358 : i32
      %jit3A_446 = arith.constant 16 : i32
      %div3A_447 = arith.divsi %add3A_445, %jit3A_446 : i32
      %sign3A_448 = arith.constant 0 : i32
      %sign3A_449 = arith.cmpi sgt, %add3A_445, %sign3A_448 : i32
      %sign3A_450 = arith.extui %sign3A_449 : i1 to i32
      %sign3A_451 = arith.constant 0 : i32
      %sign3A_452 = arith.cmpi slt, %add3A_445, %sign3A_451 : i32
      %sign3A_453 = arith.extui %sign3A_452 : i1 to i32
      %sign3A_454 = arith.subi %sign3A_450, %sign3A_453 : i32
      %sign3A_455 = arith.constant 0 : i32
      %sign3A_456 = arith.cmpi sgt, %jit3A_446, %sign3A_455 : i32
      %sign3A_457 = arith.extui %sign3A_456 : i1 to i32
      %sign3A_458 = arith.constant 0 : i32
      %sign3A_459 = arith.cmpi slt, %jit3A_446, %sign3A_458 : i32
      %sign3A_460 = arith.extui %sign3A_459 : i1 to i32
      %sign3A_461 = arith.subi %sign3A_457, %sign3A_460 : i32
      %ne3A_462 = arith.cmpi ne, %sign3A_454, %sign3A_461 : i32
      %rem3A_463 = arith.remsi %add3A_445, %jit3A_446 : i32
      %ne3A_464 = arith.constant 0 : i32
      %ne3A_465 = arith.cmpi ne, %rem3A_463, %ne3A_464 : i32
      %and3A_466 = arith.andi %ne3A_462, %ne3A_465 : i1
      %sub3A_467 = arith.constant 1 : i32
      %sub3A_468 = arith.subi %div3A_447, %sub3A_467 : i32
      %select_n3A_469 = arith.select %and3A_466, %sub3A_468, %div3A_447 : i32
      %jit3A_470 = arith.constant 16 : i32
      %eq3A_471 = arith.constant 0 : i32
      %eq3A_472 = arith.cmpi eq, %jit3A_470, %eq3A_471 : i32
      %jit3A_473 = arith.constant 1 : i32
      %select_n3A_474 = arith.select %eq3A_472, %jit3A_473, %jit3A_470 : i32
      %rem3A_475 = arith.remsi %add3A_445, %select_n3A_474 : i32
      %ne3A_476 = arith.constant 0 : i32
      %ne3A_477 = arith.cmpi ne, %rem3A_475, %ne3A_476 : i32
      %lt3A_478 = arith.constant 0 : i32
      %lt3A_479 = arith.cmpi slt, %rem3A_475, %lt3A_478 : i32
      %lt3A_480 = arith.constant 0 : i32
      %lt3A_481 = arith.cmpi slt, %select_n3A_474, %lt3A_480 : i32
      %ne3A_482 = arith.xori %lt3A_479, %lt3A_481 : i1
      %and3A_483 = arith.andi %ne3A_482, %ne3A_477 : i1
      %add3A_484 = arith.addi %rem3A_475, %select_n3A_474 : i32
      %select_n3A_485 = arith.select %and3A_483, %add3A_484, %rem3A_475 : i32
      %mul3A_486 = arith.constant 2 : i32
      %mul3A_487 = arith.muli %select_n3A_485, %mul3A_486 : i32
      %dma_start3A_488 = arith.constant 1 : i32
      %dma_start3A_489 = arith.constant 0 : i32
      %dma_start3A_490 = arith.constant 0 : i32
      %dma_start3A_491 = arith.constant 0 : i32
      %dma_start3A_492 = arith.constant 0 : i32
      %dma_start3A_493 = tpu.memref_slice %arg8[%dma_start3A_488, %dma_start3A_489, %dma_start3A_490, %dma_start3A_491, %dma_start3A_492] : memref<2x8x2x8x129xf32, #tpu.memory_space<vmem>> -> memref<1x8x2x8x128xf32, #tpu.memory_space<vmem>>
      %dma_start3A_494 = tpu.memref_squeeze %dma_start3A_493 : memref<1x8x2x8x128xf32, #tpu.memory_space<vmem>> -> memref<8x2x8x128xf32, #tpu.memory_space<vmem>>
      %dma_start3A_495 = arith.constant 0 : i32
      %dma_start3A_496 = arith.constant 0 : i32
      %dma_start3A_497 = arith.constant 0 : i32
      %dma_start3A_498 = tpu.memref_slice %arg5[%select_n3A_469, %dma_start3A_495, %mul3A_487, %dma_start3A_496, %dma_start3A_497] : memref<200x8x32x8x128xf32, #tpu.memory_space<hbm>> -> memref<1x8x2x8x128xf32, #tpu.memory_space<hbm>>
      %dma_start3A_499 = tpu.memref_squeeze %dma_start3A_498 : memref<1x8x2x8x128xf32, #tpu.memory_space<hbm>> -> memref<8x2x8x128xf32, #tpu.memory_space<hbm>>
      %dma_start3A_500 = arith.constant 0 : i32
      %dma_start3A_501 = arith.constant 0 : i32
      %dma_start3A_502 = arith.constant 0 : i32
      %dma_start3A_503 = tpu.memref_slice %arg5[%select_n3A_469, %dma_start3A_500, %mul3A_487, %dma_start3A_501, %dma_start3A_502] : memref<200x8x32x8x128xf32, #tpu.memory_space<hbm>> -> memref<1x8x2x8x128xf32, #tpu.memory_space<hbm>>
      %dma_start3A_504 = tpu.memref_squeeze %dma_start3A_503 : memref<1x8x2x8x128xf32, #tpu.memory_space<hbm>> -> memref<8x2x8x128xf32, #tpu.memory_space<hbm>>
      %dma_start3A_505 = arith.constant 0 : i32
      %dma_start3A_506 = arith.constant 0 : i32
      %dma_start3A_507 = arith.constant 0 : i32
      %dma_start3A_508 = arith.constant 0 : i32
      %dma_start3A_509 = tpu.memref_slice %arg8[%dma_start3A_488, %dma_start3A_505, %dma_start3A_506, %dma_start3A_507, %dma_start3A_508] : memref<2x8x2x8x129xf32, #tpu.memory_space<vmem>> -> memref<1x8x2x8x128xf32, #tpu.memory_space<vmem>>
      %dma_start3A_510 = tpu.memref_squeeze %dma_start3A_509 : memref<1x8x2x8x128xf32, #tpu.memory_space<vmem>> -> memref<8x2x8x128xf32, #tpu.memory_space<vmem>>
      tpu.enqueue_dma source(%dma_start3A_510 : memref<8x2x8x128xf32, #tpu.memory_space<vmem>>) target(%dma_start3A_504 : memref<8x2x8x128xf32, #tpu.memory_space<hbm>>) target_semaphore(%arg13 : memref<!tpu.dma_semaphore, #tpu.memory_space<semaphore_mem>>)
    }
    %scan3A_74 = arith.constant 50 : i32
    %mul3A_75 = arith.constant 100 : i32
    %mul3A_76 = arith.muli %add3A, %mul3A_75 : i32
    %add3A_77 = arith.constant 98 : i32
    %add3A_78 = arith.addi %mul3A_76, %add3A_77 : i32
    %jit3A = arith.constant 16 : i32
    %div3A = arith.divsi %add3A_78, %jit3A : i32
    %sign3A = arith.constant 0 : i32
    %sign3A_79 = arith.cmpi sgt, %add3A_78, %sign3A : i32
    %sign3A_80 = arith.extui %sign3A_79 : i1 to i32
    %sign3A_81 = arith.constant 0 : i32
    %sign3A_82 = arith.cmpi slt, %add3A_78, %sign3A_81 : i32
    %sign3A_83 = arith.extui %sign3A_82 : i1 to i32
    %sign3A_84 = arith.subi %sign3A_80, %sign3A_83 : i32
    %sign3A_85 = arith.constant 0 : i32
    %sign3A_86 = arith.cmpi sgt, %jit3A, %sign3A_85 : i32
    %sign3A_87 = arith.extui %sign3A_86 : i1 to i32
    %sign3A_88 = arith.constant 0 : i32
    %sign3A_89 = arith.cmpi slt, %jit3A, %sign3A_88 : i32
    %sign3A_90 = arith.extui %sign3A_89 : i1 to i32
    %sign3A_91 = arith.subi %sign3A_87, %sign3A_90 : i32
    %ne3A = arith.cmpi ne, %sign3A_84, %sign3A_91 : i32
    %rem3A = arith.remsi %add3A_78, %jit3A : i32
    %ne3A_92 = arith.constant 0 : i32
    %ne3A_93 = arith.cmpi ne, %rem3A, %ne3A_92 : i32
    %and3A_94 = arith.andi %ne3A, %ne3A_93 : i1
    %sub3A = arith.constant 1 : i32
    %sub3A_95 = arith.subi %div3A, %sub3A : i32
    %select_n3A = arith.select %and3A_94, %sub3A_95, %div3A : i32
    %jit3A_96 = arith.constant 16 : i32
    %eq3A = arith.constant 0 : i32
    %eq3A_97 = arith.cmpi eq, %jit3A_96, %eq3A : i32
    %jit3A_98 = arith.constant 1 : i32
    %select_n3A_99 = arith.select %eq3A_97, %jit3A_98, %jit3A_96 : i32
    %rem3A_100 = arith.remsi %add3A_78, %select_n3A_99 : i32
    %ne3A_101 = arith.constant 0 : i32
    %ne3A_102 = arith.cmpi ne, %rem3A_100, %ne3A_101 : i32
    %lt3A = arith.constant 0 : i32
    %lt3A_103 = arith.cmpi slt, %rem3A_100, %lt3A : i32
    %lt3A_104 = arith.constant 0 : i32
    %lt3A_105 = arith.cmpi slt, %select_n3A_99, %lt3A_104 : i32
    %ne3A_106 = arith.xori %lt3A_103, %lt3A_105 : i1
    %and3A_107 = arith.andi %ne3A_106, %ne3A_102 : i1
    %add3A_108 = arith.addi %rem3A_100, %select_n3A_99 : i32
    %select_n3A_109 = arith.select %and3A_107, %add3A_108, %rem3A_100 : i32
    %mul3A_110 = arith.constant 2 : i32
    %mul3A_111 = arith.muli %select_n3A_109, %mul3A_110 : i32
    %dma_wait3A = arith.constant 0 : i32
    %dma_wait3A_112 = arith.constant 0 : i32
    %dma_wait3A_113 = arith.constant 0 : i32
    %dma_wait3A_114 = arith.constant 0 : i32
    %dma_wait3A_115 = arith.constant 0 : i32
    %dma_wait3A_116 = tpu.memref_slice %arg8[%dma_wait3A, %dma_wait3A_112, %dma_wait3A_113, %dma_wait3A_114, %dma_wait3A_115] : memref<2x8x2x8x129xf32, #tpu.memory_space<vmem>> -> memref<1x8x2x8x128xf32, #tpu.memory_space<vmem>>
    %dma_wait3A_117 = tpu.memref_squeeze %dma_wait3A_116 : memref<1x8x2x8x128xf32, #tpu.memory_space<vmem>> -> memref<8x2x8x128xf32, #tpu.memory_space<vmem>>
    %dma_wait3A_118 = arith.constant 0 : i32
    %dma_wait3A_119 = arith.constant 0 : i32
    %dma_wait3A_120 = arith.constant 0 : i32
    %dma_wait3A_121 = tpu.memref_slice %arg5[%select_n3A, %dma_wait3A_118, %mul3A_111, %dma_wait3A_119, %dma_wait3A_120] : memref<200x8x32x8x128xf32, #tpu.memory_space<hbm>> -> memref<1x8x2x8x128xf32, #tpu.memory_space<hbm>>
    %dma_wait3A_122 = tpu.memref_squeeze %dma_wait3A_121 : memref<1x8x2x8x128xf32, #tpu.memory_space<hbm>> -> memref<8x2x8x128xf32, #tpu.memory_space<hbm>>
    %dma_wait3A_123 = arith.constant 0 : i32
    %dma_wait3A_124 = arith.constant 0 : i32
    %dma_wait3A_125 = arith.constant 0 : i32
    %dma_wait3A_126 = tpu.memref_slice %arg5[%select_n3A, %dma_wait3A_123, %mul3A_111, %dma_wait3A_124, %dma_wait3A_125] : memref<200x8x32x8x128xf32, #tpu.memory_space<hbm>> -> memref<1x8x2x8x128xf32, #tpu.memory_space<hbm>>
    %dma_wait3A_127 = tpu.memref_squeeze %dma_wait3A_126 : memref<1x8x2x8x128xf32, #tpu.memory_space<hbm>> -> memref<8x2x8x128xf32, #tpu.memory_space<hbm>>
    %dma_wait3A_128 = arith.constant 0 : i32
    %dma_wait3A_129 = arith.constant 0 : i32
    %dma_wait3A_130 = arith.constant 0 : i32
    %dma_wait3A_131 = arith.constant 0 : i32
    %dma_wait3A_132 = tpu.memref_slice %arg8[%dma_wait3A, %dma_wait3A_128, %dma_wait3A_129, %dma_wait3A_130, %dma_wait3A_131] : memref<2x8x2x8x129xf32, #tpu.memory_space<vmem>> -> memref<1x8x2x8x128xf32, #tpu.memory_space<vmem>>
    %dma_wait3A_133 = tpu.memref_squeeze %dma_wait3A_132 : memref<1x8x2x8x128xf32, #tpu.memory_space<vmem>> -> memref<8x2x8x128xf32, #tpu.memory_space<vmem>>
    tpu.wait_dma2 semaphore(%arg12 : memref<!tpu.dma_semaphore, #tpu.memory_space<semaphore_mem>>) src(%dma_wait3A_133 : memref<8x2x8x128xf32, #tpu.memory_space<vmem>>) dst(%dma_wait3A_127 : memref<8x2x8x128xf32, #tpu.memory_space<hbm>>)
    %mul3A_134 = arith.constant 100 : i32
    %mul3A_135 = arith.muli %add3A, %mul3A_134 : i32
    %add3A_136 = arith.constant 99 : i32
    %add3A_137 = arith.addi %mul3A_135, %add3A_136 : i32
    %jit3A_138 = arith.constant 16 : i32
    %div3A_139 = arith.divsi %add3A_137, %jit3A_138 : i32
    %sign3A_140 = arith.constant 0 : i32
    %sign3A_141 = arith.cmpi sgt, %add3A_137, %sign3A_140 : i32
    %sign3A_142 = arith.extui %sign3A_141 : i1 to i32
    %sign3A_143 = arith.constant 0 : i32
    %sign3A_144 = arith.cmpi slt, %add3A_137, %sign3A_143 : i32
    %sign3A_145 = arith.extui %sign3A_144 : i1 to i32
    %sign3A_146 = arith.subi %sign3A_142, %sign3A_145 : i32
    %sign3A_147 = arith.constant 0 : i32
    %sign3A_148 = arith.cmpi sgt, %jit3A_138, %sign3A_147 : i32
    %sign3A_149 = arith.extui %sign3A_148 : i1 to i32
    %sign3A_150 = arith.constant 0 : i32
    %sign3A_151 = arith.cmpi slt, %jit3A_138, %sign3A_150 : i32
    %sign3A_152 = arith.extui %sign3A_151 : i1 to i32
    %sign3A_153 = arith.subi %sign3A_149, %sign3A_152 : i32
    %ne3A_154 = arith.cmpi ne, %sign3A_146, %sign3A_153 : i32
    %rem3A_155 = arith.remsi %add3A_137, %jit3A_138 : i32
    %ne3A_156 = arith.constant 0 : i32
    %ne3A_157 = arith.cmpi ne, %rem3A_155, %ne3A_156 : i32
    %and3A_158 = arith.andi %ne3A_154, %ne3A_157 : i1
    %sub3A_159 = arith.constant 1 : i32
    %sub3A_160 = arith.subi %div3A_139, %sub3A_159 : i32
    %select_n3A_161 = arith.select %and3A_158, %sub3A_160, %div3A_139 : i32
    %jit3A_162 = arith.constant 16 : i32
    %eq3A_163 = arith.constant 0 : i32
    %eq3A_164 = arith.cmpi eq, %jit3A_162, %eq3A_163 : i32
    %jit3A_165 = arith.constant 1 : i32
    %select_n3A_166 = arith.select %eq3A_164, %jit3A_165, %jit3A_162 : i32
    %rem3A_167 = arith.remsi %add3A_137, %select_n3A_166 : i32
    %ne3A_168 = arith.constant 0 : i32
    %ne3A_169 = arith.cmpi ne, %rem3A_167, %ne3A_168 : i32
    %lt3A_170 = arith.constant 0 : i32
    %lt3A_171 = arith.cmpi slt, %rem3A_167, %lt3A_170 : i32
    %lt3A_172 = arith.constant 0 : i32
    %lt3A_173 = arith.cmpi slt, %select_n3A_166, %lt3A_172 : i32
    %ne3A_174 = arith.xori %lt3A_171, %lt3A_173 : i1
    %and3A_175 = arith.andi %ne3A_174, %ne3A_169 : i1
    %add3A_176 = arith.addi %rem3A_167, %select_n3A_166 : i32
    %select_n3A_177 = arith.select %and3A_175, %add3A_176, %rem3A_167 : i32
    %mul3A_178 = arith.constant 2 : i32
    %mul3A_179 = arith.muli %select_n3A_177, %mul3A_178 : i32
    %dma_wait3A_180 = arith.constant 1 : i32
    %dma_wait3A_181 = arith.constant 0 : i32
    %dma_wait3A_182 = arith.constant 0 : i32
    %dma_wait3A_183 = arith.constant 0 : i32
    %dma_wait3A_184 = arith.constant 0 : i32
    %dma_wait3A_185 = tpu.memref_slice %arg8[%dma_wait3A_180, %dma_wait3A_181, %dma_wait3A_182, %dma_wait3A_183, %dma_wait3A_184] : memref<2x8x2x8x129xf32, #tpu.memory_space<vmem>> -> memref<1x8x2x8x128xf32, #tpu.memory_space<vmem>>
    %dma_wait3A_186 = tpu.memref_squeeze %dma_wait3A_185 : memref<1x8x2x8x128xf32, #tpu.memory_space<vmem>> -> memref<8x2x8x128xf32, #tpu.memory_space<vmem>>
    %dma_wait3A_187 = arith.constant 0 : i32
    %dma_wait3A_188 = arith.constant 0 : i32
    %dma_wait3A_189 = arith.constant 0 : i32
    %dma_wait3A_190 = tpu.memref_slice %arg5[%select_n3A_161, %dma_wait3A_187, %mul3A_179, %dma_wait3A_188, %dma_wait3A_189] : memref<200x8x32x8x128xf32, #tpu.memory_space<hbm>> -> memref<1x8x2x8x128xf32, #tpu.memory_space<hbm>>
    %dma_wait3A_191 = tpu.memref_squeeze %dma_wait3A_190 : memref<1x8x2x8x128xf32, #tpu.memory_space<hbm>> -> memref<8x2x8x128xf32, #tpu.memory_space<hbm>>
    %dma_wait3A_192 = arith.constant 0 : i32
    %dma_wait3A_193 = arith.constant 0 : i32
    %dma_wait3A_194 = arith.constant 0 : i32
    %dma_wait3A_195 = tpu.memref_slice %arg5[%select_n3A_161, %dma_wait3A_192, %mul3A_179, %dma_wait3A_193, %dma_wait3A_194] : memref<200x8x32x8x128xf32, #tpu.memory_space<hbm>> -> memref<1x8x2x8x128xf32, #tpu.memory_space<hbm>>
    %dma_wait3A_196 = tpu.memref_squeeze %dma_wait3A_195 : memref<1x8x2x8x128xf32, #tpu.memory_space<hbm>> -> memref<8x2x8x128xf32, #tpu.memory_space<hbm>>
    %dma_wait3A_197 = arith.constant 0 : i32
    %dma_wait3A_198 = arith.constant 0 : i32
    %dma_wait3A_199 = arith.constant 0 : i32
    %dma_wait3A_200 = arith.constant 0 : i32
    %dma_wait3A_201 = tpu.memref_slice %arg8[%dma_wait3A_180, %dma_wait3A_197, %dma_wait3A_198, %dma_wait3A_199, %dma_wait3A_200] : memref<2x8x2x8x129xf32, #tpu.memory_space<vmem>> -> memref<1x8x2x8x128xf32, #tpu.memory_space<vmem>>
    %dma_wait3A_202 = tpu.memref_squeeze %dma_wait3A_201 : memref<1x8x2x8x128xf32, #tpu.memory_space<vmem>> -> memref<8x2x8x128xf32, #tpu.memory_space<vmem>>
    tpu.wait_dma2 semaphore(%arg13 : memref<!tpu.dma_semaphore, #tpu.memory_space<semaphore_mem>>) src(%dma_wait3A_202 : memref<8x2x8x128xf32, #tpu.memory_space<vmem>>) dst(%dma_wait3A_196 : memref<8x2x8x128xf32, #tpu.memory_space<hbm>>)
    return
  }
}

</mosaic_0001>

<sc_bundles>
// kernel: kernel.3.cloned.1.call-start
scs
__scs_entry_jumppad:
0x0: {  	(pc) =	sbr.rel $0x88, $3  }
0x1: {  	(tag) =	ssettag $0x0;
	lr =	simm.s32 $0x1  }
0x2: {  	[smem:$0x3F9E] =	sst lr;
	_ =	strace $0xD0000000  }
0x3: {  	_ = 	snop  }
0x4: {  	_ = 	snop  }
0x5: {  	_ = 	snop  }
0x6: {  	_ = 	snop  }
0x7: {  	_ = 	snop  }
__scs_overlays_trampoline_lowered:
0x8: {  	[smem:$0x3FAD] =	sst s0  }
0x9: {  	[smem:$0x3FAE] =	sst s1  }
0xa: {  	[smem:$0x3FAF] =	sst s2  }
0xb: {  	[smem:$0x3FB0] =	sst s3  }
0xc: {  	[smem:$0x3FB1] =	sst s4  }
0xd: {  	[smem:$0x3FB2] =	sst s5  }
0xe: {  	[smem:$0x3FB3] =	sst s6  }
0xf: {  	[smem:$0x3FB4] =	sst s7  }
0x10: {  	[smem:$0x3FB5] =	sst s8  }
0x11: {  	[smem:$0x3FB6] =	sst s9;
	s0 =	simm.s32 @!p0 $0x0  }
0x12: {  	s1 =	sld [smem:$0x3F9C];
	s0 =	simm.s32 @p0 $0x1  }
0x13: {  	[smem:$0x3FB7] =	sst s0;
	s0 =	simm.s32 @!p1 $0x0  }
0x14: {  	s2 =	sld [smem:$0x3F9B];
	s0 =	simm.s32 @p1 $0x1  }
0x15: {  	[smem:$0x3FB8] =	sst s0;
	s0 =	simm.s32 @!p2 $0x0  }
0x16: {  	s3 =	sld [smem:$0x3FDB];
	s0 =	simm.s32 @p2 $0x1  }
0x17: {  	s4 =	simm.s32 $0x1BF5;
	[smem:$0x3FBA] =	sst s0  }
0x18: {  	s0 =	sld [smem:$0x3F9D];
	_ =	swait.ge [sflag:s4], $0x0  }
0x19: {  	s7 =	sld [smem:$0x3F9E]  }
0x1a: {  	s8 =	sadd.s32 $0xFFFFE003, lr  }
0x1b: {  	s9 =	sadd.s32 $0xFFFFFEF7, lr;
	s5 =	simm.s32 $0xFFFFFFFF;
	p2 =	slt.u32 s8, $0xFFFFF086  }
0x1c: {  	p1 =	slt.u32 s9, $0xF7A;
	s5 =	simm.s32 @!p2 $0x0  }
0x1d: {  	s5 =	simm.s32 @p1 $0x1;
	p0 =	seq.s32 s7, s2  }
0x1e: {  	s7 =	smul.u32 @!p0 $0xF7A, s2;
	p2 =	seq.s32 @!p0 s5, $0x0  }
0x1f: {  	s9 =	smul.u32 $0xF7A, s1;
	s8 =	simm.s32 @!p0 $0x1BF5;
	p2 =	por !p2, p0  }
0x20: {  	[sflag:s8] =	ssyncset.s32 @!p0 $0xFFFFF086;
	s6 =	sadd.s32 @!p0 s3, s7;
	s7 =	simm.s32 @!p0 $0x108  }
0x21: {  	s3 =	sadd.s32 s3, s9;
	s6 =	sadd.s32 @!p0 $0x88, s6;
	s7 =	simm.s32 @p2 $0x1082  }
0x22: {  	[simem:s7], [sflag:s8] =	dma.local @!p0 [hbm:s6], $0xF7A  }
0x23: {  	s9 =	sor.u32 $0xD0000000, s2;
	s6 =	simm.s32 $0x108;
	_ =	swait.ge @!p0 [sflag:s8], $0x0  }
0x24: {  	s3 =	sadd.s32 $0x88, s3;
	s6 =	simm.s32 @!p1 $0x1082;
	[sflag:s4] =	ssyncset.s32 $0xFFFFF086  }
0x25: {  	[simem:s6], [sflag:s4] =	dma.local [hbm:s3], $0xF7A  }
0x26: {  	[smem:$0x3F9E] =	sst s1;
	(tag) =	ssettag s2;
	_ =	strace s9  }
0x27: {  	s1 =	sld [smem:$0x3FAE]  }
0x28: {  	s2 =	sld [smem:$0x3FAF]  }
0x29: {  	s4 =	sld [smem:$0x3FB1]  }
0x2a: {  	p0 =	seq.s32 s5, $0x0;
	s5 =	sld [smem:$0x3FB2]  }
0x2b: {  	s6 =	sld [smem:$0x3FB3]  }
0x2c: {  	s7 =	sld [smem:$0x3FB4]  }
0x2d: {  	s3 =	simm.s32 $0x108;
	s8 =	sld [smem:$0x3FB5]  }
0x2e: {  	s3 =	simm.s32 @!p0 $0x1082;
	s9 =	sld [smem:$0x3FB6]  }
0x2f: {  	lr =	sadd.s32 s0, s3;
	s0 =	sld [smem:$0x3FAD]  }
0x30: {  	s3 =	sld [smem:$0x3FB0]  }
0x31: {  	[smem:$0x3FB9] =	sst s10  }
0x32: {  	s10 =	sld [smem:$0x3FB7];
	_ =	sdelay $0x3  }
0x33: {  	p0 =	seq.s32 s10, $0x1;
	s10 =	sld [smem:$0x3FB9];
	_ =	sdelay $0x3  }
0x34: {  	[smem:$0x3FB9] =	sst s10  }
0x35: {  	s10 =	sld [smem:$0x3FB8];
	_ =	sdelay $0x3  }
0x36: {  	p1 =	seq.s32 s10, $0x1;
	s10 =	sld [smem:$0x3FB9];
	_ =	sdelay $0x3  }
0x37: {  	[smem:$0x3FB9] =	sst s10  }
0x38: {  	s10 =	sld [smem:$0x3FBA]  }
0x39: {  	_ = 	snop;
	(pc) =	sbr.ind lr, $3  }
0x3a: {  	_ = 	snop  }
0x3b: {  	_ = 	snop  }
0x3c: {  	p2 =	seq.s32 s10, $0x1;
	s10 =	sld [smem:$0x3FB9]  }
0x3d: {  	_ =	shalt  }
0x3e: {  	_ =	shalt  }
0x3f: {  	_ =	shalt  }
0x40: {  	_ =	shalt  }
0x41: {  	_ =	shalt  }
0x42: {  	_ =	shalt  }
0x43: {  	_ =	shalt  }
0x44: {  	_ =	shalt  }
0x45: {  	_ =	shalt  }
0x46: {  	_ =	shalt  }
0x47: {  	_ =	shalt  }
0x48: {  	_ =	shalt  }
0x49: {  	_ =	shalt  }
0x4a: {  	_ =	shalt  }
0x4b: {  	_ =	shalt  }
0x4c: {  	_ =	shalt  }
0x4d: {  	_ =	shalt  }
0x4e: {  	_ =	shalt  }
0x4f: {  	_ =	shalt  }
0x50: {  	_ =	shalt  }
0x51: {  	_ =	shalt  }
0x52: {  	_ =	shalt  }
0x53: {  	_ =	shalt  }
0x54: {  	_ =	shalt  }
0x55: {  	_ =	shalt  }
0x56: {  	_ =	shalt  }
0x57: {  	_ =	shalt  }
0x58: {  	_ =	shalt  }
0x59: {  	_ =	shalt  }
0x5a: {  	_ =	shalt  }
0x5b: {  	_ =	shalt  }
0x5c: {  	_ =	shalt  }
0x5d: {  	_ =	shalt  }
0x5e: {  	_ =	shalt  }
0x5f: {  	_ =	shalt  }
0x60: {  	_ =	shalt  }
0x61: {  	_ =	shalt  }
0x62: {  	_ =	shalt  }
0x63: {  	_ =	shalt  }
0x64: {  	_ =	shalt  }
0x65: {  	_ =	shalt  }
0x66: {  	_ =	shalt  }
0x67: {  	_ =	shalt  }
0x68: {  	_ =	shalt  }
0x69: {  	_ =	shalt  }
0x6a: {  	_ =	shalt  }
0x6b: {  	_ =	shalt  }
0x6c: {  	_ =	shalt  }
0x6d: {  	_ =	shalt  }
0x6e: {  	_ =	shalt  }
0x6f: {  	_ =	shalt  }
0x70: {  	_ =	shalt  }
0x71: {  	_ =	shalt  }
0x72: {  	_ =	shalt  }
0x73: {  	_ =	shalt  }
0x74: {  	_ =	shalt  }
0x75: {  	_ =	shalt  }
0x76: {  	_ =	shalt  }
0x77: {  	_ =	shalt  }
0x78: {  	_ =	shalt  }
0x79: {  	_ =	shalt  }
0x7a: {  	_ =	shalt  }
0x7b: {  	_ =	shalt  }
0x7c: {  	_ =	shalt  }
0x7d: {  	_ =	shalt  }
0x7e: {  	_ =	shalt  }
0x7f: {  	_ =	shalt  }
0x80: {  	_ =	shalt  }
0x81: {  	_ =	shalt  }
0x82: {  	_ =	shalt  }
0x83: {  	_ =	shalt  }
0x84: {  	_ =	shalt  }
0x85: {  	_ =	shalt  }
0x86: {  	_ =	shalt  }
0x87: {  	_ =	shalt  }
.Lfunc_end0:
.L_simem_size_0:
called_computation_lowered:
.L_overlay_start_0:
0x88: {  	s2 =	sld [smem:$0x3FD9]  }
0x89: {  	s3 =	sld [smem:$0x3FFE];
	_ =	sdelay $0x1  }
0x8a: {  	s1 =	srdreg.scid  }
0x8b: {  	s0 =	sand.u32 $0x1, s1  }
0x8c: {  	s17 =	sshll.u32 s0, $0xA;
	s2 =	sadd.s32 s3, s2  }
0x8d: {  	s2 =	sadd.s32 s2, s17  }
0x8e: {  	[smem:$0x3FC5] =	sst s2  }
0x8f: {  	_ = 	snop  }
0x90: {  	s2 =	sld [smem:$0x3FD0];
	(tm) =	ssettm $0x1  }
0x91: {  	s18 =	sld [smem:$0x3FFB];
	_ =	sdelay $0x3  }
0x92: {  	_ =	strace s18  }
0x93: {  	s3 =	sld [smem:$0x3FFC];
	_ =	sdelay $0x3  }
0x94: {  	_ =	strace s3  }
0x95: {  	s3 =	sld [smem:$0x3FFD];
	_ =	sdelay $0x3  }
0x96: {  	_ =	strace s3  }
0x97: {  	_ =	strace $0x8FFFFFFF  }
0x98: {  	s19 =	sld [smem:$0x3FDB];
	_ =	sdelay $0x1  }
0x99: {  	s4 =	simm.s32 $_scs_section_size  }
0x9a: {  	s5 =	simm.s32 $_size__tile_overlayer_lowered;
	s6 =	simm.s32 $_tile_overlayer_lowered  }
0x9b: {  	s22 =	simm.s32 $0x1BFF;
	s21 =	sshll.u32 s6, $0x1;
	s3 =	sadd.s32 s4, s19  }
0x9c: {  	s7 =	simm.s32 $0x0;
	s20 =	sshll.u32 s5, $0x1;
	s5 =	sadd.s32 s21, s3  }
0x9d: {  	[timem:s7], [sflag:s22] =	dma.local [hbm:s5], s20  }
0x9e: {  	_ =	swait.ge [sflag:s22], s20  }
0x9f: {  	s4 =	ssub.s32 $0x0, s20;
	[sflag:s22] =	ssyncset.done $0x0  }
0xa0: {  	[sflag:s22] =	ssyncadd.s32 s4;
	_ =	sdelay $0x1  }
0xa1: {  	s23 =	simm.s32 $0x1B8B  }
0xa2: {  	_ =	swait.ge [sflag:s23], $0x1  }
0xa3: {  	[sflag:s23] =	ssyncset.done $0x0  }
0xa4: {  	s25 =	simm.s32 $0x1B8E;
	s24 =	sld [smem:$0x3FFE];
	[sflag:s23] =	ssyncadd.s32 $0xFFFFFFFF  }
0xa5: {  	s26 =	simm.s32 $execute0_lowered;
	[smem:$0x3FD2] =	sst s25  }
0xa6: {  	s5 =	sshll.u32 s26, $0x1;
	_ =	strace $0x80000046;
	[dreg:$0x1] =	wrdreg $0xFFFFFFFF  }
0xa7: {  	s28 =	simm.s32 $_size_execute0_lowered;
	s3 =	sadd.s32 s3, s5;
	[dreg:$0x0] =	wrdreg $0x0  }
0xa8: {  	s5 =	sshll.u32 s28, $0x1;
	[dreg:$0x2] =	wrdreg s3  }
0xa9: {  	[dreg:$0x3] =	wrdreg s5  }
0xaa: {  	[dreg:$0x4] =	wrdreg $0xC0  }
0xab: {  	_ =	task [dreg:s7], $0x5FFFF  }
0xac: {  	[dreg:$0x1] =	wrdreg $0xFFFFFFFF  }
0xad: {  	[dreg:$0x0] =	wrdreg $0x60  }
0xae: {  	[dreg:$0x2] =	wrdreg s24  }
0xaf: {  	[dreg:$0x3] =	wrdreg s2  }
0xb0: {  	[dreg:$0x4] =	wrdreg $0x9  }
0xb1: {  	_ =	task.clear_ibuf [dreg:s7], $0x5FFFF;
	_ =	strace $0x90000046  }
0xb2: {  	s29 =	simm.s32 $0x9;
	_ =	strace $0x80000048  }
0xb3: {  	_ =	swait.ge [sflag:s29], $0x1  }
0xb4: {  	[sflag:s29] =	ssyncadd.s32 $0xFFFFFFFF  }
0xb5: {  	_ =	strace $0x90000048  }
0xb6: {  	_ =	sfence  }
0xb7: {  	s30 =	sld [smem:$0x0];
	_ =	sdelay $0x2  }
0xb8: {  	s31 =	sshll.u32 s1, $0xD;
	s1 =	sshrl.u32 s1, $0x2  }
0xb9: {  	s3 =	sand.u32 $0x4000, s31;
	s1 =	sadd.s32 s1, s30  }
0xba: {  	s0 =	sor.u32 s3, s0;
	s1 =	sshll.u32 s1, $0x11  }
0xbb: {  	s0 =	sor.u32 s1, s0  }
0xbc: {  	s0 =	sadd.s32 $0x8F2B, s0  }
0xbd: {  	[sflag:s0] =	ssyncadd.remote.s32 $0x1  }
0xbe: {  	_ =	sfence.sel $0xFFFF  }
0xbf: {  	[dreg:$0x0] =	wrdreg $0xFFFFFFFF;
	(pc) =	sbr.abs _section_cstart, $3  }
0xc0: {  	[dreg:$0x1] =	wrdreg $0xFFFFFFFF  }
0xc1: {  	_ =	task.clear_ibuf [dreg:s7], $0x2FFFF;
	_ =	strace $0x9FFFFFFF  }
0xc2: {  	(tm) =	ssettm $0x7FFFFFFF  }
0xc3: {  	_ =	shalt  }
tec
execute0_lowered:
.L_overlay_start_1:
0x0: {  	(tag) =	ssettag $0x1  }
0x1: {  	v0 =	vimm.s32 $0xC38  }
0x2: {  	vm14 =	vcmask $0x300;
	vm13 =	vcmask $0x704;
	vm12 =	vcmask $0xB08  }
0x3: {  	vm11 =	vcmask $0xF0C;
	vm10 =	vcmask $0x1310;
	vm9 =	vcmask $0x1714  }
0x4: {  	vm8 =	vcmask $0x1B18;
	vm7 =	vcmask $0x1F1C;
	vm6 =	vcmask $0x2320  }
0x5: {  	vm5 =	vcmask $0x2724;
	vm4 =	vcmask $0x2B28;
	vm3 =	vcmask $0x2F2C  }
0x6: {  	vm2 =	vcmask $0x3330;
	vm1 =	vcmask $0x3734;
	vm0 =	vcmask $0x3B38  }
0x7: {  	v1 =	vimm.s32 $0x1D38;
	v2 =	vimm.s32 $0x2E38;
	v3 =	vimm.s32 $0x3F38  }
0x8: {  	v0 =	vsel vm14, $0x0, v0;
	v1 =	vsel vm14, $0x1100, v1;
	v2 =	vsel vm14, $0x2200, v2  }
0x9: {  	v3 =	vsel vm14, $0x3300, v3;
	v0 =	vsel vm13, $0x88, v0;
	v1 =	vsel vm13, $0x1188, v1  }
0xa: {  	v2 =	vsel vm13, $0x2288, v2;
	v3 =	vsel vm13, $0x3388, v3;
	v0 =	vsel vm12, $0x110, v0  }
0xb: {  	v1 =	vsel vm12, $0x1210, v1;
	v2 =	vsel vm12, $0x2310, v2;
	v3 =	vsel vm12, $0x3410, v3  }
0xc: {  	v0 =	vsel vm11, $0x198, v0;
	v1 =	vsel vm11, $0x1298, v1;
	v2 =	vsel vm11, $0x2398, v2  }
0xd: {  	v3 =	vsel vm11, $0x3498, v3;
	v0 =	vsel vm10, $0x220, v0;
	v1 =	vsel vm10, $0x1320, v1  }
0xe: {  	v2 =	vsel vm10, $0x2420, v2;
	v3 =	vsel vm10, $0x3520, v3;
	v0 =	vsel vm9, $0x2A8, v0  }
0xf: {  	v1 =	vsel vm9, $0x13A8, v1;
	v2 =	vsel vm9, $0x24A8, v2;
	v3 =	vsel vm9, $0x35A8, v3  }
0x10: {  	s0 =	srdreg.scid;
	v0 =	vsel vm8, $0x330, v0;
	v1 =	vsel vm8, $0x1430, v1;
	v2 =	vsel vm8, $0x2530, v2  }
0x11: {  	s2 =	stileid.u32;
	s1 =	rddreg [dreg:$0x0];
	s9 =	simm.s32 $0x16C00;
	v3 =	vsel vm8, $0x3630, v3;
	v0 =	vsel vm7, $0x3B8, v0;
	v1 =	vsel vm7, $0x14B8, v1  }
0x12: {  	s10 =	simm.s32 $0x5;
	s11 =	simm.s32 $0x80;
	s12 =	simm.s32 $0x6400;
	v2 =	vsel vm7, $0x25B8, v2;
	v3 =	vsel vm7, $0x36B8, v3;
	v0 =	vsel vm6, $0x880, v0  }
0x13: {  	s13 =	simm.s32 $0x8400;
	s14 =	simm.s32 $0xA400;
	s15 =	simm.s32 $0xC400;
	v1 =	vsel vm6, $0x1980, v1;
	v2 =	vsel vm6, $0x2A80, v2;
	v3 =	vsel vm6, $0x3B80, v3  }
0x14: {  	s16 =	simm.s32 $0x1;
	s17 =	simm.s32 $0xE400;
	s18 =	simm.s32 $0x2;
	v0 =	vsel vm5, $0x908, v0;
	v1 =	vsel vm5, $0x1A08, v1;
	v2 =	vsel vm5, $0x2B08, v2  }
0x15: {  	s19 =	simm.s32 $0x12800;
	s20 =	simm.s32 $0x3;
	s21 =	simm.s32 $0x4;
	v3 =	vsel vm5, $0x3C08, v3;
	v0 =	vsel vm4, $0x990, v0;
	v1 =	vsel vm4, $0x1A90, v1  }
0x16: {  	s22 =	simm.s32 $0x0;
	s0 =	sand.u32 $0x1, s0;
	s3 =	sshll.u32 s2, $0x1;
	v2 =	vsel vm4, $0x2B90, v2;
	v3 =	vsel vm4, $0x3C90, v3;
	v0 =	vsel vm3, $0xA18, v0  }
0x17: {  	s2 =	rddreg [dreg:$0x1];
	s5 =	sadd.s32 $0x19800, s1;
	s7 =	sor.u32 s0, s3;
	v1 =	vsel vm3, $0x1B18, v1;
	v2 =	vsel vm3, $0x2C18, v2;
	v3 =	vsel vm3, $0x3D18, v3  }
0x18: {  	s3 =	simm.s32 $0x0;
	s0 =	ssub.s32 $0x2, s0;
	s4 =	smul.u32 $0xC80, s7;
	v0 =	vsel vm2, $0xAA0, v0;
	v1 =	vsel vm2, $0x1BA0, v1;
	v2 =	vsel vm2, $0x2CA0, v2  }
0x19: {  	[smem:$0x7FF] =	sst s3;
	s31 =	sshrl.u32 s0, $0x1;
	s7 =	smul.u32 $0x64, s7;
	v3 =	vsel vm2, $0x3DA0, v3;
	v0 =	vsel vm1, $0xB28, v0;
	v1 =	vsel vm1, $0x1C28, v1  }
0x1a: {  	_ =	strace $0x80000047;
	s0 =	ssub.s32 s0, s31;
	s6 =	sadd.s32 s4, s1;
	v2 =	vsel vm1, $0x2D28, v2;
	v3 =	vsel vm1, $0x3E28, v3;
	v0 =	vsel vm0, $0xBB0, v0  }
0x1b: {  	s4 =	sadd.s32 $0xF42C00, s1;
	s8 =	smax.u32 s0, $0x1;
	s6 =	sadd.s32 $0x800, s6;
	v1 =	vsel vm0, $0x1CB0, v1;
	v2 =	vsel vm0, $0x2DB0, v2;
	v3 =	vsel vm0, $0x3EB0, v3  }
.LBB2_1:
0x1c: {  	[tilespmem:s9], [sflag:$0x5] =	stream.linear.gather [hbm4b:s5+s3], $0x3200, $0x38;
	[tilespmem:$0x19E00] =	vst v63  }
0x1d: {  	_ =	swait.ge [sflag:s10], $0x3200  }
0x1e: {  	[sflag:s10] =	ssyncset.done $0x0  }
0x1f: {  	[sflag:s10] =	ssyncadd.s32 $0xFFFFCE00  }
0x20: {  	[tilespmem:s3], [sflag:$0x5] =	stream.linear.gather [hbm4b:s6+s3], $0x6400, $0x38;
	[tilespmem:$0x19E00] =	vst v63  }
0x21: {  	_ =	swait.ge [sflag:s10], $0x6400  }
0x22: {  	[sflag:s10] =	ssyncset.done $0x0  }
0x23: {  	[sflag:s10] =	ssyncadd.s32 $0xFFFF9C00  }
0x24: {  	[tilespmem:s12], [sflag:$0x1] =	stream.indirect.gather [hbm4b:s4+s11], $0x40, s3, s11, $0xb8;
	[tilespmem:$0x19E00] =	vst v63  }
0x25: {  	s23 =	simm.s32 $0x0  }
0x26: {  	[tilespmem:s13], [sflag:$0x1] =	stream.indirect.gather [hbm4b:s4+s11], $0x40, s11, s11, $0xb8;
	[tilespmem:$0x19E00] =	vst v63  }
.LBB2_2:
0x27: {  	s24 =	sshllo.u32 s23, $0x1  }
0x28: {  	s0 =	sshll.u32 s24, $0x8  }
0x29: {  	s0 =	sand.u32 $0x3FFFFF00, s0  }
0x2a: {  	[tilespmem:s14], [sflag:$0x2] =	stream.indirect.gather [hbm4b:s4+s11], $0x40, s0, s11, $0xb8;
	[tilespmem:$0x19E00] =	vst v63  }
0x2b: {  	s0 =	sor.u32 $0x80, s0  }
0x2c: {  	[tilespmem:s15], [sflag:$0x2] =	stream.indirect.gather [hbm4b:s4+s11], $0x40, s0, s11, $0xb8;
	[tilespmem:$0x19E00] =	vst v63  }
0x2d: {  	_ =	swait.ge [sflag:s16], $0x2000  }
0x2e: {  	[sflag:s16] =	ssyncset.done $0x0  }
0x2f: {  	[sflag:s16] =	ssyncadd.s32 $0xFFFFE000  }
0x30: {  	s26 =	sshll.u32 s23, $0x1;
	_ =	swait.ge [sflag:s16], $0x2000  }
0x31: {  	p0 =	seq.s32 s23, $0x0;
	s1 =	simm.s32 $0x0;
	[sflag:s16] =	ssyncset.done $0x0  }
0x32: {  	s26 =	sadd.s32 s7, s26;
	v4 =	vmov s1;
	s0 =	simm.s32 @!p0 $0x3;
	[sflag:s16] =	ssyncadd.s32 $0xFFFFE000  }
0x33: {  	s25 =	sshrl.u32 s26, $0x4;
	v4 =	vmul.u32 $0x440, v4;
	_ =	swait.ge @!p0 [sflag:s0], $0x4000  }
0x34: {  	s1 =	sshll.u32 s25, $0x6;
	[sflag:s0] =	ssyncset.done @!p0 $0x0  }
0x35: {  	v16 =	vbroadcast v4, $0x0;
	[sflag:s0] =	ssyncadd.s32 @!p0 $0xFFFFC000;
	s0 =	sand.u32 $0x3FFFFFC0, s1;
	s1 =	simm.s32 $0x1  }
0x36: {  	s29 =	simm.s32 $0x6440;
	v9 =	vld [tilespmem:s0+$0x16C00];
	v4 =	vmov s1  }
0x37: {  	v7 =	vadd.s32 v0, v16;
	v8 =	vld [tilespmem:s29+$0x0];
	v17 =	vand.u32 $0x78, v4  }
0x38: {  	v18 =	vand.u32 $0x7, v4;
	v4 =	vadd.s32 v17, v7  }
0x39: {  	s1 =	simm.s32 $0x0;
	v10 =	vor.u32 v18, v4  }
0x3a: {  	v4 =	vmov s1  }
0x3b: {  	v11 =	vld [tilespmem:s29+$0xFFFFFFC0];
	v19 =	vand.u32 $0x78, v4  }
0x3c: {  	v6 =	vld [tilespmem:s0+$0x16C10];
	v21 =	vand.u32 $0x6, v4;
	v7 =	vadd.s32 v19, v7;
	v8 =	vadd.f32 v8, v9  }
0x3d: {  	v5 =	vld [tilespmem:s0+$0x16C20];
	v7 =	vor.u32 v21, v7  }
0x3e: {  	s1 =	simm.s32 $0x0;
	v4 =	vld [tilespmem:s0+$0x16C30];
	[tilespmem:v10+s17+$0x0] =	vst.idx.msk $0xffff, v8  }
0x3f: {  	v8 =	vmov s1;
	v10 =	vadd.s32 v1, v16;
	v13 =	vld [tilespmem:s29+$0x10]  }
0x40: {  	v11 =	vadd.f32 v11, v9;
	v8 =	vmul.u32 $0x440, v8;
	v12 =	vadd.s32 v17, v10  }
0x41: {  	s1 =	simm.s32 $0x3;
	v15 =	vor.u32 v18, v12  }
0x42: {  	s0 =	simm.s32 $0x2;
	[tilespmem:v7+s17+$0x0] =	vst.idx.msk $0xffff, v11;
	v12 =	vbroadcast v8, $0x0;
	v8 =	vadd.s32 v19, v10;
	v10 =	vmov s1  }
0x43: {  	s28 =	simm.s32 $0x64C0;
	v7 =	vmov s0;
	v20 =	vld [tilespmem:s29+$0xFFFFFFD0];
	v11 =	vand.u32 $0x78, v10  }
0x44: {  	v23 =	vld [tilespmem:s28+$0x0];
	v24 =	vor.u32 v21, v8;
	v22 =	vadd.s32 v0, v12;
	v13 =	vadd.f32 v13, v6  }
0x45: {  	v25 =	vld [tilespmem:s28+$0xFFFFFFC0];
	v14 =	vand.u32 $0x7, v10;
	v8 =	vand.u32 $0x78, v7;
	v10 =	vadd.s32 v11, v22  }
0x46: {  	v7 =	vand.u32 $0x6, v7;
	v26 =	vor.u32 v14, v10;
	v10 =	vadd.s32 v8, v22;
	[tilespmem:v15+s17+$0x0] =	vst.idx.msk $0xffff, v13  }
0x47: {  	v13 =	vadd.s32 v2, v16;
	v22 =	vor.u32 v7, v10;
	v15 =	vld [tilespmem:s29+$0x20]  }
0x48: {  	v10 =	vadd.f32 v20, v6;
	v20 =	vadd.s32 v17, v13  }
0x49: {  	v23 =	vadd.f32 v23, v9;
	s1 =	simm.s32 $0x4;
	v20 =	vor.u32 v18, v20  }
0x4a: {  	v27 =	vmov s1;
	s1 =	simm.s32 $0x0;
	v13 =	vadd.s32 v19, v13;
	[tilespmem:v24+s17+$0x0] =	vst.idx.msk $0xffff, v10;
	v24 =	vadd.f32 v25, v9  }
0x4b: {  	v25 =	vor.u32 v21, v13;
	v10 =	vand.u32 $0x6, v27;
	v13 =	vmov s1;
	[tilespmem:v26+s17+$0x0] =	vst.idx.msk $0xffff, v23;
	v23 =	vld [tilespmem:s29+$0xFFFFFFE0]  }
0x4c: {  	v26 =	vadd.s32 v1, v12;
	v28 =	vld [tilespmem:s28+$0x10];
	[tilespmem:v22+s17+$0x0] =	vst.idx.msk $0xffff, v24;
	v22 =	vmul.u32 $0x440, v13;
	v15 =	vadd.f32 v15, v5  }
0x4d: {  	s1 =	simm.s32 $0x5;
	v24 =	vadd.s32 v8, v26;
	v26 =	vadd.s32 v11, v26;
	v13 =	vand.u32 $0x78, v27  }
0x4e: {  	v24 =	vor.u32 v7, v24;
	v26 =	vor.u32 v14, v26;
	[tilespmem:v20+s17+$0x0] =	vst.idx.msk $0xffff, v15;
	v20 =	vmov s1  }
0x4f: {  	v15 =	vbroadcast v22, $0x0;
	v22 =	vadd.s32 v3, v16;
	v16 =	vand.u32 $0x78, v20  }
0x50: {  	v29 =	vld [tilespmem:s28+$0xFFFFFFD0];
	v23 =	vadd.f32 v23, v5;
	v17 =	vadd.s32 v17, v22;
	v63 =	vadd.s32 v19, v22  }
0x51: {  	s30 =	simm.s32 $0x6540;
	v27 =	vld [tilespmem:s29+$0x30];
	v30 =	vadd.s32 v0, v15;
	v28 =	vadd.f32 v28, v6;
	v18 =	vor.u32 v18, v17  }
0x52: {  	v31 =	vld [tilespmem:s30+$0x0];
	v17 =	vand.u32 $0x7, v20;
	v33 =	vadd.s32 v13, v30;
	v20 =	vadd.s32 v16, v30  }
0x53: {  	v32 =	vld [tilespmem:s30+$0xFFFFFFC0];
	[tilespmem:v25+s17+$0x0] =	vst.idx.msk $0xffff, v23;
	v25 =	vadd.s32 v2, v12;
	v20 =	vor.u32 v17, v20  }
0x54: {  	[tilespmem:v26+s17+$0x0] =	vst.idx.msk $0xffff, v28;
	v28 =	vld [tilespmem:s29+$0xFFFFFFF0];
	v62 =	vadd.s32 v8, v25;
	v25 =	vadd.s32 v11, v25  }
0x55: {  	v29 =	vadd.f32 v29, v6;
	v23 =	vor.u32 v10, v33;
	v22 =	vor.u32 v14, v25;
	v25 =	vld [tilespmem:s28+$0x20]  }
0x56: {  	v26 =	vadd.f32 v27, v4  }
0x57: {  	s31 =	simm.s32 $0x6;
	v31 =	vadd.f32 v31, v9;
	[tilespmem:v24+s17+$0x0] =	vst.idx.msk $0xffff, v29  }
0x58: {  	v21 =	vor.u32 v21, v63;
	v27 =	vadd.f32 v32, v9;
	[tilespmem:v18+s17+$0x0] =	vst.idx.msk $0xffff, v26;
	v26 =	vmov s31  }
0x59: {  	s0 =	simm.s32 $0x0;
	s1 =	simm.s32 $0x8;
	s29 =	simm.s32 $0x6540;
	v24 =	vld [tilespmem:s28+$0xFFFFFFE0];
	v18 =	vor.u32 v7, v62;
	v19 =	vand.u32 $0x6, v26;
	[tilespmem:v20+s17+$0x0] =	vst.idx.msk $0xffff, v31;
	v20 =	vadd.f32 v28, v4  }
.LBB2_3:
0x5a: {  	p1 =	slt.u32 s1, $0xFE;
	v28 =	vmov s0;
	[tilespmem:v23+s17+$0x0] =	vst.idx.msk $0xffff, v27;
	v23 =	vadd.s32 v1, v15;
	v27 =	vld [tilespmem:s30+$0x10];
	v25 =	vadd.f32 v25, v5;
	v29 =	vmovc v7  }
0x5b: {  	v7 =	vmovc v10;
	v10 =	vmovc v19;
	v28 =	vmul.u32 $0x440, v28;
	v30 =	vld [tilespmem:s30+$0xFFFFFFD0];
	v31 =	vadd.s32 v13, v23;
	v23 =	vadd.s32 v16, v23  }
0x5c: {  	v19 =	vand.u32 $0x78, v26;
	s0 =	sadd.s32 $0x1, s31;
	s31 =	smov.u32 s1;
	v31 =	vor.u32 v7, v31;
	v26 =	vor.u32 v17, v23;
	[tilespmem:v22+s17+$0x0] =	vst.idx.msk $0xffff, v25  }
0x5d: {  	v32 =	vadd.s32 v3, v12;
	v12 =	vmovc v15;
	v22 =	vmov s0;
	v33 =	vld [tilespmem:s28+$0x30];
	v15 =	vbroadcast v28, $0x0  }
0x5e: {  	s30 =	sadd.s32 $0x80, s30;
	v25 =	vand.u32 $0x78, v22;
	v28 =	vadd.s32 v11, v32;
	v23 =	vadd.f32 v24, v5;
	[tilespmem:v21+s17+$0x0] =	vst.idx.msk $0xffff, v20  }
0x5f: {  	v11 =	vmovc v16;
	v20 =	vadd.s32 v0, v15;
	v21 =	vld [tilespmem:s30+$0x0];
	v24 =	vadd.f32 v27, v6;
	v27 =	vor.u32 v14, v28  }
0x60: {  	v34 =	vand.u32 $0x7, v22;
	v28 =	vld [tilespmem:s30+$0xFFFFFFC0];
	v36 =	vadd.s32 v19, v20;
	v22 =	vadd.s32 v25, v20;
	[tilespmem:v18+s17+$0x0] =	vst.idx.msk $0xffff, v23  }
0x61: {  	v16 =	vmov v25;
	v23 =	vor.u32 v10, v36;
	v20 =	vor.u32 v34, v22;
	[tilespmem:v26+s17+$0x0] =	vst.idx.msk $0xffff, v24;
	v35 =	vld [tilespmem:s28+$0xFFFFFFF0];
	s28 =	smov.u32 s29;
	s29 =	smov.u32 s30  }
.Ltmp0:
0x62: {  	v14 =	vmovc v17;
	v18 =	vadd.f32 v30, v6;
	v22 =	vadd.s32 v2, v12;
	v25 =	vld [tilespmem:s28+$0x20];
	v24 =	vadd.f32 v33, v4;
	(pc) =	sbr.rel @p1 .LBB2_3-.Ltmp0, $4  }
0x63: {  	v30 =	vadd.s32 v8, v32;
	v8 =	vmovc v13;
	v33 =	vadd.s32 v13, v22;
	v22 =	vadd.s32 v11, v22  }
0x64: {  	v13 =	vmov v19;
	v22 =	vor.u32 v14, v22;
	v21 =	vadd.f32 v21, v9;
	[tilespmem:v27+s17+$0x0] =	vst.idx.msk $0xffff, v24  }
0x65: {  	v17 =	vmovc v34;
	v26 =	vmov s1;
	v27 =	vadd.f32 v28, v9;
	[tilespmem:v31+s17+$0x0] =	vst.idx.msk $0xffff, v18;
	v18 =	vor.u32 v7, v33  }
0x66: {  	s0 =	sshrl.u32 s31, $0x7;
	s1 =	sadd.s32 $0x2, s1;
	v19 =	vand.u32 $0x6, v26;
	[tilespmem:v20+s17+$0x0] =	vst.idx.msk $0xffff, v21;
	v24 =	vld [tilespmem:s28+$0xFFFFFFE0];
	v20 =	vadd.f32 v35, v4;
	v21 =	vor.u32 v29, v30  }
0x67: {  	v28 =	vmov s0  }
0x68: {  	v28 =	vmul.u32 $0x440, v28;
	_ =	sdelay $0x1  }
0x69: {  	s1 =	sadd.s32 $0x1, s31;
	v28 =	vbroadcast v28, $0x0  }
0x6a: {  	v29 =	vmov s1;
	s1 =	sadd.s32 $0x80, s30  }
0x6b: {  	v30 =	vand.u32 $0x78, v29;
	v32 =	vld [tilespmem:s1+$0x0];
	v31 =	vadd.s32 v0, v28  }
0x6c: {  	v26 =	vand.u32 $0x78, v26;
	v33 =	vld [tilespmem:s1+$0xFFFFFFC0];
	v29 =	vand.u32 $0x7, v29;
	v34 =	vadd.s32 v30, v31  }
0x6d: {  	v31 =	vadd.s32 v26, v31;
	v34 =	vor.u32 v29, v34  }
0x6e: {  	v31 =	vor.u32 v19, v31;
	_ =	sdelay $0x1  }
0x6f: {  	v32 =	vadd.f32 v32, v9  }
0x70: {  	v35 =	vadd.s32 v1, v15;
	v36 =	vld [tilespmem:s30+$0x10];
	[tilespmem:v23+s17+$0x0] =	vst.idx.msk $0xffff, v27;
	v52 =	vadd.f32 v33, v9  }
0x71: {  	v51 =	vadd.s32 v16, v35;
	v27 =	vld [tilespmem:s30+$0xFFFFFFD0];
	v53 =	vadd.s32 v13, v35;
	[tilespmem:v34+s17+$0x0] =	vst.idx.msk $0xffff, v32  }
0x72: {  	v23 =	vor.u32 v17, v51;
	v54 =	vadd.s32 v1, v28;
	[tilespmem:v31+s17+$0x0] =	vst.idx.msk $0xffff, v52;
	v55 =	vld [tilespmem:s1+$0x10]  }
0x73: {  	v57 =	vadd.s32 v30, v54;
	v32 =	vor.u32 v10, v53;
	v56 =	vld [tilespmem:s1+$0xFFFFFFD0]  }
0x74: {  	v25 =	vadd.f32 v25, v5;
	v9 =	vadd.s32 v26, v54;
	v34 =	vor.u32 v29, v57  }
0x75: {  	v58 =	vadd.f32 v36, v6;
	v9 =	vor.u32 v19, v9  }
0x76: {  	v12 =	vadd.s32 v3, v12;
	[tilespmem:v22+s17+$0x0] =	vst.idx.msk $0xffff, v25;
	v59 =	vadd.f32 v27, v6  }
0x77: {  	v62 =	vadd.s32 v2, v15;
	[tilespmem:v23+s17+$0x0] =	vst.idx.msk $0xffff, v58;
	v61 =	vadd.f32 v55, v6  }
0x78: {  	v50 =	vadd.s32 v3, v15;
	v63 =	vld [tilespmem:s29+$0x20];
	[tilespmem:v32+s17+$0x0] =	vst.idx.msk $0xffff, v59;
	v36 =	vadd.f32 v56, v6  }
0x79: {  	v37 =	vadd.s32 v13, v62;
	v25 =	vadd.s32 v16, v62;
	v38 =	vld [tilespmem:s29+$0xFFFFFFE0];
	[tilespmem:v34+s17+$0x0] =	vst.idx.msk $0xffff, v61  }
0x7a: {  	v39 =	vor.u32 v17, v25;
	v40 =	vadd.s32 v2, v28;
	[tilespmem:v9+s17+$0x0] =	vst.idx.msk $0xffff, v36;
	v41 =	vld [tilespmem:s1+$0x20]  }
0x7b: {  	v42 =	vadd.s32 v11, v12;
	v43 =	vor.u32 v10, v37;
	v44 =	vadd.s32 v30, v40;
	v45 =	vld [tilespmem:s1+$0xFFFFFFE0]  }
0x7c: {  	v60 =	vadd.f32 v24, v5;
	v46 =	vadd.s32 v26, v40;
	v11 =	vor.u32 v29, v44  }
0x7d: {  	[tilespmem:v21+s17+$0x0] =	vst.idx.msk $0xffff, v20;
	v20 =	vor.u32 v19, v46;
	v47 =	vadd.f32 v63, v5  }
0x7e: {  	v8 =	vadd.s32 v8, v12;
	v48 =	vld [tilespmem:s28+$0x30];
	[tilespmem:v18+s17+$0x0] =	vst.idx.msk $0xffff, v60;
	v49 =	vadd.f32 v38, v5  }
0x7f: {  	v18 =	vld [tilespmem:s28+$0xFFFFFFF0];
	v53 =	vadd.s32 v16, v50;
	[tilespmem:v39+s17+$0x0] =	vst.idx.msk $0xffff, v47;
	v51 =	vadd.f32 v41, v5  }
0x80: {  	v52 =	vld [tilespmem:s29+$0x30];
	v6 =	vor.u32 v14, v42;
	[tilespmem:v43+s17+$0x0] =	vst.idx.msk $0xffff, v49;
	v5 =	vadd.f32 v45, v5  }
0x81: {  	v7 =	vor.u32 v7, v8;
	v54 =	vor.u32 v17, v53;
	v9 =	vld [tilespmem:s29+$0xFFFFFFF0];
	[tilespmem:v11+s17+$0x0] =	vst.idx.msk $0xffff, v51  }
0x82: {  	v55 =	vadd.s32 v13, v50;
	v56 =	vadd.s32 v3, v28;
	[tilespmem:v20+s17+$0x0] =	vst.idx.msk $0xffff, v5;
	v57 =	vld [tilespmem:s1+$0x30]  }
0x83: {  	v58 =	vor.u32 v10, v55;
	v59 =	vadd.s32 v30, v56;
	v5 =	vadd.f32 v48, v4;
	v60 =	vld [tilespmem:s1+$0xFFFFFFF0]  }
0x84: {  	v12 =	vadd.s32 v26, v56;
	v61 =	vadd.f32 v18, v4;
	v11 =	vor.u32 v29, v59  }
0x85: {  	v62 =	vor.u32 v19, v12;
	[tilespmem:v6+s17+$0x0] =	vst.idx.msk $0xffff, v5;
	v5 =	vadd.f32 v52, v4  }
0x86: {  	[tilespmem:v7+s17+$0x0] =	vst.idx.msk $0xffff, v61;
	v63 =	vadd.f32 v9, v4  }
0x87: {  	s30 =	sshll.u32 s26, $0x8;
	[tilespmem:v54+s17+$0x0] =	vst.idx.msk $0xffff, v5;
	v5 =	vadd.f32 v57, v4  }
0x88: {  	s0 =	sand.u32 $0xE00, s30;
	[tilespmem:v58+s17+$0x0] =	vst.idx.msk $0xffff, v63;
	v4 =	vadd.f32 v60, v4  }
0x89: {  	s31 =	sshll.u32 s25, $0xF;
	s0 =	sadd.s32 s2, s0;
	[tilespmem:v11+s17+$0x0] =	vst.idx.msk $0xffff, v5  }
0x8a: {  	s25 =	simm.s32 $0xE400;
	s26 =	sadd.s32 s31, s0;
	[tilespmem:v62+s17+$0x0] =	vst.idx.msk $0xffff, v4  }
0x8b: {  	[hbm4b:s26+s3] =	stream.linear.scatter [tilespmem:s25], [sflag:$0x3], $0x80, $0x38;
	[tilespmem:$0x19E00] =	vst v63  }
0x8c: {  	s28 =	simm.s32 $0xE488;
	s1 =	sadd.s32 $0x10, s26  }
0x8d: {  	[hbm4b:s1+s3] =	stream.linear.scatter [tilespmem:s28], [sflag:$0x3], $0x80, $0x38;
	[tilespmem:$0x19E00] =	vst v63  }
0x8e: {  	s30 =	simm.s32 $0xE510;
	s31 =	sadd.s32 $0x20, s26  }
0x8f: {  	[hbm4b:s31+s3] =	stream.linear.scatter [tilespmem:s30], [sflag:$0x3], $0x80, $0x38;
	[tilespmem:$0x19E00] =	vst v63  }
0x90: {  	s25 =	simm.s32 $0xE598;
	s28 =	sadd.s32 $0x30, s26  }
0x91: {  	[hbm4b:s28+s3] =	stream.linear.scatter [tilespmem:s25], [sflag:$0x3], $0x80, $0x38;
	[tilespmem:$0x19E00] =	vst v63  }
0x92: {  	s30 =	simm.s32 $0xE620;
	s31 =	sadd.s32 $0x40, s26  }
0x93: {  	[hbm4b:s31+s3] =	stream.linear.scatter [tilespmem:s30], [sflag:$0x3], $0x80, $0x38;
	[tilespmem:$0x19E00] =	vst v63  }
0x94: {  	s25 =	simm.s32 $0xE6A8;
	s28 =	sadd.s32 $0x50, s26  }
0x95: {  	[hbm4b:s28+s3] =	stream.linear.scatter [tilespmem:s25], [sflag:$0x3], $0x80, $0x38;
	[tilespmem:$0x19E00] =	vst v63  }
0x96: {  	s30 =	simm.s32 $0xE730;
	s31 =	sadd.s32 $0x60, s26  }
0x97: {  	[hbm4b:s31+s3] =	stream.linear.scatter [tilespmem:s30], [sflag:$0x3], $0x80, $0x38;
	[tilespmem:$0x19E00] =	vst v63  }
0x98: {  	s25 =	simm.s32 $0xE7B8;
	s28 =	sadd.s32 $0x70, s26  }
0x99: {  	[hbm4b:s28+s3] =	stream.linear.scatter [tilespmem:s25], [sflag:$0x3], $0x80, $0x38;
	[tilespmem:$0x19E00] =	vst v63  }
0x9a: {  	s30 =	simm.s32 $0xE840;
	s31 =	sadd.s32 $0x80, s26  }
0x9b: {  	[hbm4b:s31+s3] =	stream.linear.scatter [tilespmem:s30], [sflag:$0x3], $0x80, $0x38;
	[tilespmem:$0x19E00] =	vst v63  }
0x9c: {  	s25 =	simm.s32 $0xE8C8;
	s28 =	sadd.s32 $0x90, s26  }
0x9d: {  	[hbm4b:s28+s3] =	stream.linear.scatter [tilespmem:s25], [sflag:$0x3], $0x80, $0x38;
	[tilespmem:$0x19E00] =	vst v63  }
0x9e: {  	s0 =	simm.s32 $0x4400;
	s30 =	simm.s32 $0xE950;
	s31 =	sadd.s32 $0xA0, s26  }
0x9f: {  	[hbm4b:s31+s3] =	stream.linear.scatter [tilespmem:s30], [sflag:$0x3], $0x80, $0x38;
	[tilespmem:$0x19E00] =	vst v63  }
0xa0: {  	s29 =	sadd.s32 $0xF0, s26;
	s25 =	simm.s32 $0xE9D8;
	s28 =	sadd.s32 $0xB0, s26  }
0xa1: {  	[hbm4b:s28+s3] =	stream.linear.scatter [tilespmem:s25], [sflag:$0x3], $0x80, $0x38;
	[tilespmem:$0x19E00] =	vst v63  }
0xa2: {  	s1 =	simm.s32 $0xEBF8;
	s30 =	simm.s32 $0xEA60;
	s31 =	sadd.s32 $0xC0, s26  }
0xa3: {  	[hbm4b:s31+s3] =	stream.linear.scatter [tilespmem:s30], [sflag:$0x3], $0x80, $0x38;
	[tilespmem:$0x19E00] =	vst v63  }
0xa4: {  	s25 =	simm.s32 $0xEAE8;
	s28 =	sadd.s32 $0xD0, s26;
	s30 =	simm.s32 $0xEB70  }
0xa5: {  	[hbm4b:s28+s3] =	stream.linear.scatter [tilespmem:s25], [sflag:$0x3], $0x80, $0x38;
	[tilespmem:$0x19E00] =	vst v63  }
0xa6: {  	s31 =	sadd.s32 $0xE0, s26;
	s26 =	sadd.s32 $0x1000, s26;
	s25 =	simm.s32 $0x880  }
0xa7: {  	[hbm4b:s31+s3] =	stream.linear.scatter [tilespmem:s30], [sflag:$0x3], $0x80, $0x38;
	[tilespmem:$0x19E00] =	vst v63  }
.LBB2_5:
0xa8: {  	[hbm4b:s29+s3] =	stream.linear.scatter [tilespmem:s1], [sflag:$0x3], $0x80, $0x38;
	[tilespmem:$0x19E00] =	vst v63  }
0xa9: {  	s1 =	smov.u32 s25;
	s25 =	smov.u32 s0  }
0xaa: {  	s28 =	sadd.s32 $0x2200, s0;
	s25 =	sshra.s32 s25, $0x2;
	s29 =	sadd.s32 $0xE400, s1  }
0xab: {  	[hbm4b:s26+s3] =	stream.linear.scatter [tilespmem:s29], [sflag:$0x3], $0x80, $0x38;
	[tilespmem:$0x19E00] =	vst v63  }
0xac: {  	p1 =	sne.s32 s0, $0xEE00;
	s0 =	sadd.s32 $0xE488, s1;
	s29 =	sadd.s32 $0x10, s26  }
0xad: {  	[hbm4b:s29+s3] =	stream.linear.scatter [tilespmem:s0], [sflag:$0x3], $0x80, $0x38;
	[tilespmem:$0x19E00] =	vst v63  }
0xae: {  	s0 =	sadd.s32 $0xE510, s1;
	s29 =	sadd.s32 $0x20, s26  }
0xaf: {  	[hbm4b:s29+s3] =	stream.linear.scatter [tilespmem:s0], [sflag:$0x3], $0x80, $0x38;
	[tilespmem:$0x19E00] =	vst v63  }
0xb0: {  	s0 =	sadd.s32 $0xE598, s1;
	s29 =	sadd.s32 $0x30, s26  }
0xb1: {  	[hbm4b:s29+s3] =	stream.linear.scatter [tilespmem:s0], [sflag:$0x3], $0x80, $0x38;
	[tilespmem:$0x19E00] =	vst v63  }
0xb2: {  	s0 =	sadd.s32 $0xE620, s1;
	s29 =	sadd.s32 $0x40, s26  }
0xb3: {  	[hbm4b:s29+s3] =	stream.linear.scatter [tilespmem:s0], [sflag:$0x3], $0x80, $0x38;
	[tilespmem:$0x19E00] =	vst v63  }
0xb4: {  	s0 =	sadd.s32 $0xE6A8, s1;
	s29 =	sadd.s32 $0x50, s26  }
0xb5: {  	[hbm4b:s29+s3] =	stream.linear.scatter [tilespmem:s0], [sflag:$0x3], $0x80, $0x38;
	[tilespmem:$0x19E00] =	vst v63  }
0xb6: {  	s0 =	sadd.s32 $0xE730, s1;
	s29 =	sadd.s32 $0x60, s26  }
0xb7: {  	[hbm4b:s29+s3] =	stream.linear.scatter [tilespmem:s0], [sflag:$0x3], $0x80, $0x38;
	[tilespmem:$0x19E00] =	vst v63  }
0xb8: {  	s0 =	sadd.s32 $0xE7B8, s1;
	s29 =	sadd.s32 $0x70, s26  }
0xb9: {  	[hbm4b:s29+s3] =	stream.linear.scatter [tilespmem:s0], [sflag:$0x3], $0x80, $0x38;
	[tilespmem:$0x19E00] =	vst v63  }
0xba: {  	s0 =	sadd.s32 $0xE840, s1;
	s29 =	sadd.s32 $0x80, s26  }
0xbb: {  	[hbm4b:s29+s3] =	stream.linear.scatter [tilespmem:s0], [sflag:$0x3], $0x80, $0x38;
	[tilespmem:$0x19E00] =	vst v63  }
0xbc: {  	s0 =	sadd.s32 $0xE8C8, s1;
	s29 =	sadd.s32 $0x90, s26  }
0xbd: {  	[hbm4b:s29+s3] =	stream.linear.scatter [tilespmem:s0], [sflag:$0x3], $0x80, $0x38;
	[tilespmem:$0x19E00] =	vst v63  }
0xbe: {  	s0 =	sadd.s32 $0xE950, s1;
	s29 =	sadd.s32 $0xA0, s26  }
0xbf: {  	[hbm4b:s29+s3] =	stream.linear.scatter [tilespmem:s0], [sflag:$0x3], $0x80, $0x38;
	[tilespmem:$0x19E00] =	vst v63  }
0xc0: {  	s0 =	sadd.s32 $0xE9D8, s1;
	s29 =	sadd.s32 $0xB0, s26  }
0xc1: {  	[hbm4b:s29+s3] =	stream.linear.scatter [tilespmem:s0], [sflag:$0x3], $0x80, $0x38;
	[tilespmem:$0x19E00] =	vst v63  }
0xc2: {  	s0 =	sadd.s32 $0xEA60, s1;
	s29 =	sadd.s32 $0xC0, s26  }
0xc3: {  	[hbm4b:s29+s3] =	stream.linear.scatter [tilespmem:s0], [sflag:$0x3], $0x80, $0x38;
	[tilespmem:$0x19E00] =	vst v63  }
.Ltmp1:
0xc4: {  	s0 =	sadd.s32 $0xEAE8, s1;
	s29 =	sadd.s32 $0xD0, s26;
	(pc) =	sbr.rel @p1 .LBB2_5-.Ltmp1, $4  }
0xc5: {  	[hbm4b:s29+s3] =	stream.linear.scatter [tilespmem:s0], [sflag:$0x3], $0x80, $0x38;
	[tilespmem:$0x19E00] =	vst v63  }
0xc6: {  	s0 =	sadd.s32 $0xEB70, s1;
	s29 =	sadd.s32 $0xE0, s26;
	s1 =	sadd.s32 $0xEBF8, s1  }
0xc7: {  	[hbm4b:s29+s3] =	stream.linear.scatter [tilespmem:s0], [sflag:$0x3], $0x80, $0x38;
	[tilespmem:$0x19E00] =	vst v63  }
0xc8: {  	s29 =	sadd.s32 $0xF0, s26;
	s26 =	sadd.s32 $0x1000, s26;
	s0 =	smov.u32 s28  }
0xc9: {  	[hbm4b:s29+s3] =	stream.linear.scatter [tilespmem:s1], [sflag:$0x3], $0x80, $0x38;
	[tilespmem:$0x19E00] =	vst v63  }
0xca: {  	s0 =	sadd.s32 $0xE400, s25  }
0xcb: {  	[hbm4b:s26+s3] =	stream.linear.scatter [tilespmem:s0], [sflag:$0x3], $0x80, $0x38;
	[tilespmem:$0x19E00] =	vst v63  }
0xcc: {  	s1 =	sadd.s32 $0xE488, s25;
	s31 =	sadd.s32 $0x10, s26  }
0xcd: {  	[hbm4b:s31+s3] =	stream.linear.scatter [tilespmem:s1], [sflag:$0x3], $0x80, $0x38;
	[tilespmem:$0x19E00] =	vst v63  }
0xce: {  	s1 =	sadd.s32 $0xE510, s25;
	s31 =	sadd.s32 $0x20, s26  }
0xcf: {  	[hbm4b:s31+s3] =	stream.linear.scatter [tilespmem:s1], [sflag:$0x3], $0x80, $0x38;
	[tilespmem:$0x19E00] =	vst v63  }
0xd0: {  	s1 =	sadd.s32 $0xE598, s25;
	s31 =	sadd.s32 $0x30, s26  }
0xd1: {  	[hbm4b:s31+s3] =	stream.linear.scatter [tilespmem:s1], [sflag:$0x3], $0x80, $0x38;
	[tilespmem:$0x19E00] =	vst v63  }
0xd2: {  	s1 =	sadd.s32 $0xE620, s25;
	s31 =	sadd.s32 $0x40, s26  }
0xd3: {  	[hbm4b:s31+s3] =	stream.linear.scatter [tilespmem:s1], [sflag:$0x3], $0x80, $0x38;
	[tilespmem:$0x19E00] =	vst v63  }
0xd4: {  	s1 =	sadd.s32 $0xE6A8, s25;
	s31 =	sadd.s32 $0x50, s26  }
0xd5: {  	[hbm4b:s31+s3] =	stream.linear.scatter [tilespmem:s1], [sflag:$0x3], $0x80, $0x38;
	[tilespmem:$0x19E00] =	vst v63  }
0xd6: {  	s1 =	sadd.s32 $0xE730, s25;
	s31 =	sadd.s32 $0x60, s26  }
0xd7: {  	[hbm4b:s31+s3] =	stream.linear.scatter [tilespmem:s1], [sflag:$0x3], $0x80, $0x38;
	[tilespmem:$0x19E00] =	vst v63  }
0xd8: {  	s1 =	sadd.s32 $0xE7B8, s25;
	s31 =	sadd.s32 $0x70, s26  }
0xd9: {  	[hbm4b:s31+s3] =	stream.linear.scatter [tilespmem:s1], [sflag:$0x3], $0x80, $0x38;
	[tilespmem:$0x19E00] =	vst v63  }
0xda: {  	s1 =	sadd.s32 $0xE840, s25;
	s31 =	sadd.s32 $0x80, s26  }
0xdb: {  	[hbm4b:s31+s3] =	stream.linear.scatter [tilespmem:s1], [sflag:$0x3], $0x80, $0x38;
	[tilespmem:$0x19E00] =	vst v63  }
0xdc: {  	s1 =	sadd.s32 $0xE8C8, s25;
	s31 =	sadd.s32 $0x90, s26  }
0xdd: {  	[hbm4b:s31+s3] =	stream.linear.scatter [tilespmem:s1], [sflag:$0x3], $0x80, $0x38;
	[tilespmem:$0x19E00] =	vst v63  }
0xde: {  	s1 =	sadd.s32 $0xE950, s25;
	s31 =	sadd.s32 $0xA0, s26  }
0xdf: {  	[hbm4b:s31+s3] =	stream.linear.scatter [tilespmem:s1], [sflag:$0x3], $0x80, $0x38;
	[tilespmem:$0x19E00] =	vst v63  }
0xe0: {  	s1 =	sadd.s32 $0xE9D8, s25;
	s31 =	sadd.s32 $0xB0, s26  }
0xe1: {  	[hbm4b:s31+s3] =	stream.linear.scatter [tilespmem:s1], [sflag:$0x3], $0x80, $0x38;
	[tilespmem:$0x19E00] =	vst v63  }
0xe2: {  	s1 =	sadd.s32 $0xEA60, s25;
	s31 =	sadd.s32 $0xC0, s26  }
0xe3: {  	[hbm4b:s31+s3] =	stream.linear.scatter [tilespmem:s1], [sflag:$0x3], $0x80, $0x38;
	[tilespmem:$0x19E00] =	vst v63  }
0xe4: {  	p1 =	seq.s32 s23, $0x31;
	s1 =	sadd.s32 $0xEAE8, s25;
	s31 =	sadd.s32 $0xD0, s26  }
0xe5: {  	[hbm4b:s31+s3] =	stream.linear.scatter [tilespmem:s1], [sflag:$0x3], $0x80, $0x38;
	[tilespmem:$0x19E00] =	vst v63  }
0xe6: {  	s0 =	sshll.u32 @!p1 s23, $0x9;
	s1 =	sadd.s32 $0xEB70, s25;
	s31 =	sadd.s32 $0xE0, s26  }
0xe7: {  	[hbm4b:s31+s3] =	stream.linear.scatter [tilespmem:s1], [sflag:$0x3], $0x80, $0x38;
	[tilespmem:$0x19E00] =	vst v63  }
0xe8: {  	s0 =	sand.u32 @!p1 $0x3FFFFE00, s0;
	s25 =	sadd.s32 $0xEBF8, s25;
	s26 =	sadd.s32 $0xF0, s26  }
0xe9: {  	[hbm4b:s26+s3] =	stream.linear.scatter [tilespmem:s25], [sflag:$0x3], $0x80, $0x38;
	[tilespmem:$0x19E00] =	vst v63  }
0xea: {  	s1 =	sadd.s32 @!p1 $0x200, s0;
	s25 =	simm.s32 @!p1 $0x80;
	s26 =	simm.s32 @!p1 $0x6400  }
0xeb: {  	[tilespmem:s26], [sflag:$0x1] =	stream.indirect.gather @!p1 [hbm4b:s4+s25], $0x40, s1, s25, $0xb8;
	[tilespmem:$0x19E00] =	vst v63  }
0xec: {  	s0 =	sadd.s32 @!p1 $0x280, s0;
	s1 =	simm.s32 @!p1 $0x8400  }
0xed: {  	[tilespmem:s1], [sflag:$0x1] =	stream.indirect.gather @!p1 [hbm4b:s4+s25], $0x40, s0, s25, $0xb8;
	[tilespmem:$0x19E00] =	vst v63  }
0xee: {  	_ =	swait.ge [sflag:s18], $0x2000  }
0xef: {  	[sflag:s18] =	ssyncset.done $0x0  }
0xf0: {  	[sflag:s18] =	ssyncadd.s32 $0xFFFFE000  }
0xf1: {  	_ =	swait.ge [sflag:s18], $0x2000  }
0xf2: {  	s31 =	simm.s32 $0x0;
	[sflag:s18] =	ssyncset.done $0x0  }
0xf3: {  	v4 =	vmov s31;
	s25 =	sadd.s32 s7, s24;
	s1 =	simm.s32 @!p0 $0x4;
	[sflag:s18] =	ssyncadd.s32 $0xFFFFE000  }
0xf4: {  	v4 =	vmul.u32 $0x440, v4;
	s24 =	sshrl.u32 s25, $0x4;
	_ =	swait.ge @!p0 [sflag:s1], $0x4000  }
0xf5: {  	s26 =	sshll.u32 s24, $0x6;
	[sflag:s1] =	ssyncset.done @!p0 $0x0  }
0xf6: {  	s31 =	simm.s32 $0x1;
	v16 =	vbroadcast v4, $0x0;
	s0 =	sand.u32 $0x3FFFFFC0, s26;
	[sflag:s1] =	ssyncadd.s32 @!p0 $0xFFFFC000  }
0xf7: {  	s28 =	simm.s32 $0xA470;
	v4 =	vmov s31;
	v9 =	vld [tilespmem:s0+$0x16C00]  }
0xf8: {  	v17 =	vand.u32 $0x78, v4;
	v7 =	vadd.s32 v0, v16;
	v8 =	vld [tilespmem:s28+$0xFFFFFFD0]  }
0xf9: {  	v18 =	vand.u32 $0x7, v4;
	v4 =	vadd.s32 v17, v7  }
0xfa: {  	v10 =	vor.u32 v18, v4;
	s26 =	simm.s32 $0x0  }
0xfb: {  	v4 =	vmov s26  }
0xfc: {  	v19 =	vand.u32 $0x78, v4;
	v11 =	vld [tilespmem:s28+$0xFFFFFF90]  }
0xfd: {  	v21 =	vand.u32 $0x6, v4;
	v7 =	vadd.s32 v19, v7;
	v6 =	vld [tilespmem:s0+$0x16C10];
	v8 =	vadd.f32 v8, v9  }
0xfe: {  	v7 =	vor.u32 v21, v7;
	v5 =	vld [tilespmem:s0+$0x16C20]  }
0xff: {  	s31 =	simm.s32 $0x0;
	v4 =	vld [tilespmem:s0+$0x16C30];
	[tilespmem:v10+s19+$0x0] =	vst.idx.msk $0xffff, v8  }
0x100: {  	v8 =	vmov s31;
	v10 =	vadd.s32 v1, v16;
	v13 =	vld [tilespmem:s28+$0xFFFFFFE0]  }
0x101: {  	v11 =	vadd.f32 v11, v9;
	v8 =	vmul.u32 $0x440, v8;
	v12 =	vadd.s32 v17, v10  }
0x102: {  	s26 =	simm.s32 $0x3;
	v15 =	vor.u32 v18, v12  }
0x103: {  	s1 =	simm.s32 $0x2;
	[tilespmem:v7+s19+$0x0] =	vst.idx.msk $0xffff, v11;
	v12 =	vbroadcast v8, $0x0;
	v8 =	vadd.s32 v19, v10;
	v10 =	vmov s26  }
0x104: {  	v7 =	vmov s1;
	v20 =	vld [tilespmem:s28+$0xFFFFFFA0];
	s26 =	simm.s32 $0xA4F0;
	v11 =	vand.u32 $0x78, v10  }
0x105: {  	v23 =	vld [tilespmem:s26+$0xFFFFFFD0];
	v24 =	vor.u32 v21, v8;
	v22 =	vadd.s32 v0, v12;
	v13 =	vadd.f32 v13, v6  }
0x106: {  	v14 =	vand.u32 $0x7, v10;
	v8 =	vand.u32 $0x78, v7;
	v25 =	vld [tilespmem:s26+$0xFFFFFF90];
	v10 =	vadd.s32 v11, v22  }
0x107: {  	v7 =	vand.u32 $0x6, v7;
	v26 =	vor.u32 v14, v10;
	v10 =	vadd.s32 v8, v22;
	[tilespmem:v15+s19+$0x0] =	vst.idx.msk $0xffff, v13  }
0x108: {  	v13 =	vadd.s32 v2, v16;
	v22 =	vor.u32 v7, v10;
	v15 =	vld [tilespmem:s28+$0xFFFFFFF0]  }
0x109: {  	v10 =	vadd.f32 v20, v6;
	v20 =	vadd.s32 v17, v13  }
0x10a: {  	s31 =	simm.s32 $0x4;
	v23 =	vadd.f32 v23, v9;
	v20 =	vor.u32 v18, v20  }
0x10b: {  	s1 =	simm.s32 $0x0;
	v27 =	vmov s31;
	v13 =	vadd.s32 v19, v13;
	[tilespmem:v24+s19+$0x0] =	vst.idx.msk $0xffff, v10;
	v24 =	vadd.f32 v25, v9  }
0x10c: {  	v25 =	vor.u32 v21, v13;
	v10 =	vand.u32 $0x6, v27;
	v13 =	vmov s1;
	[tilespmem:v26+s19+$0x0] =	vst.idx.msk $0xffff, v23;
	v23 =	vld [tilespmem:s28+$0xFFFFFFB0]  }
0x10d: {  	v26 =	vadd.s32 v1, v12;
	v28 =	vld [tilespmem:s26+$0xFFFFFFE0];
	[tilespmem:v22+s19+$0x0] =	vst.idx.msk $0xffff, v24;
	v22 =	vmul.u32 $0x440, v13;
	v15 =	vadd.f32 v15, v5  }
0x10e: {  	s31 =	simm.s32 $0x5;
	v24 =	vadd.s32 v8, v26;
	v26 =	vadd.s32 v11, v26;
	v13 =	vand.u32 $0x78, v27  }
0x10f: {  	v24 =	vor.u32 v7, v24;
	v26 =	vor.u32 v14, v26;
	[tilespmem:v20+s19+$0x0] =	vst.idx.msk $0xffff, v15;
	v20 =	vmov s31  }
0x110: {  	v15 =	vbroadcast v22, $0x0;
	v22 =	vadd.s32 v3, v16;
	v16 =	vand.u32 $0x78, v20  }
0x111: {  	v29 =	vld [tilespmem:s26+$0xFFFFFFA0];
	v23 =	vadd.f32 v23, v5;
	v17 =	vadd.s32 v17, v22;
	v63 =	vadd.s32 v19, v22  }
0x112: {  	s29 =	simm.s32 $0xA570;
	v27 =	vld [tilespmem:s28+$0x0];
	v30 =	vadd.s32 v0, v15;
	v28 =	vadd.f32 v28, v6;
	v18 =	vor.u32 v18, v17  }
0x113: {  	v31 =	vld [tilespmem:s29+$0xFFFFFFD0];
	v17 =	vand.u32 $0x7, v20;
	v33 =	vadd.s32 v13, v30;
	v20 =	vadd.s32 v16, v30  }
0x114: {  	v32 =	vld [tilespmem:s29+$0xFFFFFF90];
	[tilespmem:v25+s19+$0x0] =	vst.idx.msk $0xffff, v23;
	v25 =	vadd.s32 v2, v12;
	v20 =	vor.u32 v17, v20  }
0x115: {  	[tilespmem:v26+s19+$0x0] =	vst.idx.msk $0xffff, v28;
	v28 =	vld [tilespmem:s28+$0xFFFFFFC0];
	v62 =	vadd.s32 v8, v25;
	v25 =	vadd.s32 v11, v25  }
0x116: {  	v29 =	vadd.f32 v29, v6;
	v23 =	vor.u32 v10, v33;
	v22 =	vor.u32 v14, v25;
	v25 =	vld [tilespmem:s26+$0xFFFFFFF0]  }
0x117: {  	v26 =	vadd.f32 v27, v4  }
0x118: {  	s30 =	simm.s32 $0x6;
	v31 =	vadd.f32 v31, v9;
	[tilespmem:v24+s19+$0x0] =	vst.idx.msk $0xffff, v29  }
0x119: {  	v21 =	vor.u32 v21, v63;
	v27 =	vadd.f32 v32, v9;
	[tilespmem:v18+s19+$0x0] =	vst.idx.msk $0xffff, v26;
	v26 =	vmov s30  }
0x11a: {  	s0 =	simm.s32 $0x0;
	s1 =	simm.s32 $0x8;
	s28 =	simm.s32 $0xA570;
	v24 =	vld [tilespmem:s26+$0xFFFFFFB0];
	v18 =	vor.u32 v7, v62;
	v19 =	vand.u32 $0x6, v26;
	[tilespmem:v20+s19+$0x0] =	vst.idx.msk $0xffff, v31;
	v20 =	vadd.f32 v28, v4  }
.LBB2_7:
0x11b: {  	p0 =	slt.u32 s1, $0xFE;
	v28 =	vmov s0;
	[tilespmem:v23+s19+$0x0] =	vst.idx.msk $0xffff, v27;
	v23 =	vadd.s32 v1, v15;
	v27 =	vld [tilespmem:s29+$0xFFFFFFE0];
	v25 =	vadd.f32 v25, v5;
	v29 =	vmovc v7  }
0x11c: {  	v7 =	vmovc v10;
	v10 =	vmovc v19;
	v28 =	vmul.u32 $0x440, v28;
	v30 =	vld [tilespmem:s29+$0xFFFFFFA0];
	v31 =	vadd.s32 v13, v23;
	v23 =	vadd.s32 v16, v23  }
0x11d: {  	v19 =	vand.u32 $0x78, v26;
	s0 =	sadd.s32 $0x1, s30;
	s30 =	smov.u32 s1;
	v31 =	vor.u32 v7, v31;
	v26 =	vor.u32 v17, v23;
	[tilespmem:v22+s19+$0x0] =	vst.idx.msk $0xffff, v25  }
0x11e: {  	v32 =	vadd.s32 v3, v12;
	v12 =	vmovc v15;
	v22 =	vmov s0;
	v33 =	vld [tilespmem:s26+$0x0];
	v15 =	vbroadcast v28, $0x0  }
0x11f: {  	s29 =	sadd.s32 $0x80, s29;
	v25 =	vand.u32 $0x78, v22;
	v28 =	vadd.s32 v11, v32;
	v23 =	vadd.f32 v24, v5;
	[tilespmem:v21+s19+$0x0] =	vst.idx.msk $0xffff, v20  }
0x120: {  	v11 =	vmovc v16;
	v20 =	vadd.s32 v0, v15;
	v21 =	vld [tilespmem:s29+$0xFFFFFFD0];
	v24 =	vadd.f32 v27, v6;
	v27 =	vor.u32 v14, v28  }
0x121: {  	v34 =	vand.u32 $0x7, v22;
	v28 =	vld [tilespmem:s29+$0xFFFFFF90];
	v36 =	vadd.s32 v19, v20;
	v22 =	vadd.s32 v25, v20;
	[tilespmem:v18+s19+$0x0] =	vst.idx.msk $0xffff, v23  }
0x122: {  	v16 =	vmov v25;
	v23 =	vor.u32 v10, v36;
	v20 =	vor.u32 v34, v22;
	[tilespmem:v26+s19+$0x0] =	vst.idx.msk $0xffff, v24;
	v35 =	vld [tilespmem:s26+$0xFFFFFFC0];
	s26 =	smov.u32 s28;
	s28 =	smov.u32 s29  }
.Ltmp2:
0x123: {  	v14 =	vmovc v17;
	v18 =	vadd.f32 v30, v6;
	v22 =	vadd.s32 v2, v12;
	v25 =	vld [tilespmem:s26+$0xFFFFFFF0];
	v24 =	vadd.f32 v33, v4;
	(pc) =	sbr.rel @p0 .LBB2_7-.Ltmp2, $4  }
0x124: {  	v30 =	vadd.s32 v8, v32;
	v8 =	vmovc v13;
	v33 =	vadd.s32 v13, v22;
	v22 =	vadd.s32 v11, v22  }
0x125: {  	v13 =	vmov v19;
	v22 =	vor.u32 v14, v22;
	v21 =	vadd.f32 v21, v9;
	[tilespmem:v27+s19+$0x0] =	vst.idx.msk $0xffff, v24  }
0x126: {  	v17 =	vmovc v34;
	v26 =	vmov s1;
	v27 =	vadd.f32 v28, v9;
	[tilespmem:v31+s19+$0x0] =	vst.idx.msk $0xffff, v18;
	v18 =	vor.u32 v7, v33  }
0x127: {  	s0 =	sshrl.u32 s30, $0x7;
	s1 =	sadd.s32 $0x2, s1;
	v19 =	vand.u32 $0x6, v26;
	[tilespmem:v20+s19+$0x0] =	vst.idx.msk $0xffff, v21;
	v24 =	vld [tilespmem:s26+$0xFFFFFFB0];
	v20 =	vadd.f32 v35, v4;
	v21 =	vor.u32 v29, v30  }
0x128: {  	v28 =	vmov s0  }
0x129: {  	v28 =	vmul.u32 $0x440, v28;
	_ =	sdelay $0x1  }
0x12a: {  	s31 =	sadd.s32 $0x1, s30;
	v28 =	vbroadcast v28, $0x0  }
0x12b: {  	s1 =	sadd.s32 $0x80, s29;
	v29 =	vmov s31  }
0x12c: {  	v32 =	vld [tilespmem:s1+$0xFFFFFFD0];
	v30 =	vand.u32 $0x78, v29;
	v31 =	vadd.s32 v0, v28  }
0x12d: {  	v26 =	vand.u32 $0x78, v26;
	v33 =	vld [tilespmem:s1+$0xFFFFFF90];
	v29 =	vand.u32 $0x7, v29;
	v34 =	vadd.s32 v30, v31  }
0x12e: {  	v31 =	vadd.s32 v26, v31;
	v34 =	vor.u32 v29, v34  }
0x12f: {  	v31 =	vor.u32 v19, v31;
	_ =	sdelay $0x1  }
0x130: {  	v32 =	vadd.f32 v32, v9  }
0x131: {  	v35 =	vadd.s32 v1, v15;
	v36 =	vld [tilespmem:s29+$0xFFFFFFE0];
	[tilespmem:v23+s19+$0x0] =	vst.idx.msk $0xffff, v27;
	v52 =	vadd.f32 v33, v9  }
0x132: {  	v51 =	vadd.s32 v16, v35;
	v27 =	vld [tilespmem:s29+$0xFFFFFFA0];
	v53 =	vadd.s32 v13, v35;
	[tilespmem:v34+s19+$0x0] =	vst.idx.msk $0xffff, v32  }
0x133: {  	v23 =	vor.u32 v17, v51;
	v54 =	vadd.s32 v1, v28;
	[tilespmem:v31+s19+$0x0] =	vst.idx.msk $0xffff, v52;
	v55 =	vld [tilespmem:s1+$0xFFFFFFE0]  }
0x134: {  	v57 =	vadd.s32 v30, v54;
	v32 =	vor.u32 v10, v53;
	v56 =	vld [tilespmem:s1+$0xFFFFFFA0]  }
0x135: {  	v25 =	vadd.f32 v25, v5;
	v9 =	vadd.s32 v26, v54;
	v34 =	vor.u32 v29, v57  }
0x136: {  	v58 =	vadd.f32 v36, v6;
	v9 =	vor.u32 v19, v9  }
0x137: {  	v12 =	vadd.s32 v3, v12;
	[tilespmem:v22+s19+$0x0] =	vst.idx.msk $0xffff, v25;
	v59 =	vadd.f32 v27, v6  }
0x138: {  	v62 =	vadd.s32 v2, v15;
	[tilespmem:v23+s19+$0x0] =	vst.idx.msk $0xffff, v58;
	v61 =	vadd.f32 v55, v6  }
0x139: {  	v50 =	vadd.s32 v3, v15;
	v63 =	vld [tilespmem:s28+$0xFFFFFFF0];
	[tilespmem:v32+s19+$0x0] =	vst.idx.msk $0xffff, v59;
	v36 =	vadd.f32 v56, v6  }
0x13a: {  	v37 =	vadd.s32 v13, v62;
	v25 =	vadd.s32 v16, v62;
	v38 =	vld [tilespmem:s28+$0xFFFFFFB0];
	[tilespmem:v34+s19+$0x0] =	vst.idx.msk $0xffff, v61  }
0x13b: {  	v39 =	vor.u32 v17, v25;
	v40 =	vadd.s32 v2, v28;
	[tilespmem:v9+s19+$0x0] =	vst.idx.msk $0xffff, v36;
	v41 =	vld [tilespmem:s1+$0xFFFFFFF0]  }
0x13c: {  	v42 =	vadd.s32 v11, v12;
	v43 =	vor.u32 v10, v37;
	v44 =	vadd.s32 v30, v40;
	v45 =	vld [tilespmem:s1+$0xFFFFFFB0]  }
0x13d: {  	v60 =	vadd.f32 v24, v5;
	v46 =	vadd.s32 v26, v40;
	v11 =	vor.u32 v29, v44  }
0x13e: {  	[tilespmem:v21+s19+$0x0] =	vst.idx.msk $0xffff, v20;
	v20 =	vor.u32 v19, v46;
	v47 =	vadd.f32 v63, v5  }
0x13f: {  	v8 =	vadd.s32 v8, v12;
	v48 =	vld [tilespmem:s26+$0x0];
	[tilespmem:v18+s19+$0x0] =	vst.idx.msk $0xffff, v60;
	v49 =	vadd.f32 v38, v5  }
0x140: {  	v18 =	vld [tilespmem:s26+$0xFFFFFFC0];
	v53 =	vadd.s32 v16, v50;
	[tilespmem:v39+s19+$0x0] =	vst.idx.msk $0xffff, v47;
	v51 =	vadd.f32 v41, v5  }
0x141: {  	v52 =	vld [tilespmem:s28+$0x0];
	v6 =	vor.u32 v14, v42;
	[tilespmem:v43+s19+$0x0] =	vst.idx.msk $0xffff, v49;
	v5 =	vadd.f32 v45, v5  }
0x142: {  	v7 =	vor.u32 v7, v8;
	v54 =	vor.u32 v17, v53;
	v9 =	vld [tilespmem:s28+$0xFFFFFFC0];
	[tilespmem:v11+s19+$0x0] =	vst.idx.msk $0xffff, v51  }
0x143: {  	v55 =	vadd.s32 v13, v50;
	v56 =	vadd.s32 v3, v28;
	[tilespmem:v20+s19+$0x0] =	vst.idx.msk $0xffff, v5;
	v57 =	vld [tilespmem:s1+$0x0]  }
0x144: {  	v58 =	vor.u32 v10, v55;
	v59 =	vadd.s32 v30, v56;
	v5 =	vadd.f32 v48, v4;
	v60 =	vld [tilespmem:s1+$0xFFFFFFC0]  }
0x145: {  	v12 =	vadd.s32 v26, v56;
	v61 =	vadd.f32 v18, v4;
	v11 =	vor.u32 v29, v59  }
0x146: {  	v62 =	vor.u32 v19, v12;
	[tilespmem:v6+s19+$0x0] =	vst.idx.msk $0xffff, v5;
	v5 =	vadd.f32 v52, v4  }
0x147: {  	[tilespmem:v7+s19+$0x0] =	vst.idx.msk $0xffff, v61;
	v63 =	vadd.f32 v9, v4  }
0x148: {  	s1 =	sshll.u32 s25, $0x8;
	[tilespmem:v54+s19+$0x0] =	vst.idx.msk $0xffff, v5;
	v5 =	vadd.f32 v57, v4  }
0x149: {  	s0 =	sand.u32 $0xF00, s1;
	[tilespmem:v58+s19+$0x0] =	vst.idx.msk $0xffff, v63;
	v4 =	vadd.f32 v60, v4  }
0x14a: {  	s25 =	sshll.u32 s24, $0xF;
	s0 =	sadd.s32 s2, s0;
	[tilespmem:v11+s19+$0x0] =	vst.idx.msk $0xffff, v5  }
0x14b: {  	s26 =	simm.s32 $0x12800;
	s25 =	sadd.s32 s25, s0;
	[tilespmem:v62+s19+$0x0] =	vst.idx.msk $0xffff, v4  }
0x14c: {  	[hbm4b:s25+s3] =	stream.linear.scatter [tilespmem:s26], [sflag:$0x4], $0x80, $0x38;
	[tilespmem:$0x19E00] =	vst v63  }
0x14d: {  	s29 =	simm.s32 $0x12888;
	s1 =	sadd.s32 $0x10, s25  }
0x14e: {  	[hbm4b:s1+s3] =	stream.linear.scatter [tilespmem:s29], [sflag:$0x4], $0x80, $0x38;
	[tilespmem:$0x19E00] =	vst v63  }
0x14f: {  	s30 =	simm.s32 $0x12910;
	s31 =	sadd.s32 $0x20, s25  }
0x150: {  	[hbm4b:s31+s3] =	stream.linear.scatter [tilespmem:s30], [sflag:$0x4], $0x80, $0x38;
	[tilespmem:$0x19E00] =	vst v63  }
0x151: {  	s24 =	sadd.s32 $0x30, s25;
	s1 =	simm.s32 $0x12998  }
0x152: {  	[hbm4b:s24+s3] =	stream.linear.scatter [tilespmem:s1], [sflag:$0x4], $0x80, $0x38;
	[tilespmem:$0x19E00] =	vst v63  }
0x153: {  	s26 =	simm.s32 $0x12A20;
	s29 =	sadd.s32 $0x40, s25  }
0x154: {  	[hbm4b:s29+s3] =	stream.linear.scatter [tilespmem:s26], [sflag:$0x4], $0x80, $0x38;
	[tilespmem:$0x19E00] =	vst v63  }
0x155: {  	s30 =	simm.s32 $0x12AA8;
	s31 =	sadd.s32 $0x50, s25  }
0x156: {  	[hbm4b:s31+s3] =	stream.linear.scatter [tilespmem:s30], [sflag:$0x4], $0x80, $0x38;
	[tilespmem:$0x19E00] =	vst v63  }
0x157: {  	s1 =	simm.s32 $0x12B30;
	s24 =	sadd.s32 $0x60, s25  }
0x158: {  	[hbm4b:s24+s3] =	stream.linear.scatter [tilespmem:s1], [sflag:$0x4], $0x80, $0x38;
	[tilespmem:$0x19E00] =	vst v63  }
0x159: {  	s26 =	simm.s32 $0x12BB8;
	s29 =	sadd.s32 $0x70, s25  }
0x15a: {  	[hbm4b:s29+s3] =	stream.linear.scatter [tilespmem:s26], [sflag:$0x4], $0x80, $0x38;
	[tilespmem:$0x19E00] =	vst v63  }
0x15b: {  	s30 =	simm.s32 $0x12C40;
	s31 =	sadd.s32 $0x80, s25  }
0x15c: {  	[hbm4b:s31+s3] =	stream.linear.scatter [tilespmem:s30], [sflag:$0x4], $0x80, $0x38;
	[tilespmem:$0x19E00] =	vst v63  }
0x15d: {  	s1 =	simm.s32 $0x12CC8;
	s24 =	sadd.s32 $0x90, s25  }
0x15e: {  	[hbm4b:s24+s3] =	stream.linear.scatter [tilespmem:s1], [sflag:$0x4], $0x80, $0x38;
	[tilespmem:$0x19E00] =	vst v63  }
0x15f: {  	s0 =	simm.s32 $0x4400;
	s26 =	simm.s32 $0x12D50;
	s29 =	sadd.s32 $0xA0, s25  }
0x160: {  	[hbm4b:s29+s3] =	stream.linear.scatter [tilespmem:s26], [sflag:$0x4], $0x80, $0x38;
	[tilespmem:$0x19E00] =	vst v63  }
0x161: {  	s28 =	sadd.s32 $0xF0, s25;
	s30 =	simm.s32 $0x12DD8;
	s31 =	sadd.s32 $0xB0, s25  }
0x162: {  	[hbm4b:s31+s3] =	stream.linear.scatter [tilespmem:s30], [sflag:$0x4], $0x80, $0x38;
	[tilespmem:$0x19E00] =	vst v63  }
0x163: {  	s1 =	simm.s32 $0x12E60;
	s24 =	sadd.s32 $0xC0, s25;
	s26 =	simm.s32 $0x12EE8  }
0x164: {  	[hbm4b:s24+s3] =	stream.linear.scatter [tilespmem:s1], [sflag:$0x4], $0x80, $0x38;
	[tilespmem:$0x19E00] =	vst v63  }
0x165: {  	s29 =	sadd.s32 $0xD0, s25;
	s30 =	simm.s32 $0x12F70;
	s31 =	sadd.s32 $0xE0, s25  }
0x166: {  	[hbm4b:s29+s3] =	stream.linear.scatter [tilespmem:s26], [sflag:$0x4], $0x80, $0x38;
	[tilespmem:$0x19E00] =	vst v63  }
0x167: {  	s25 =	sadd.s32 $0x1000, s25;
	s24 =	simm.s32 $0x880;
	s1 =	simm.s32 $0x12FF8  }
0x168: {  	[hbm4b:s31+s3] =	stream.linear.scatter [tilespmem:s30], [sflag:$0x4], $0x80, $0x38;
	[tilespmem:$0x19E00] =	vst v63  }
.LBB2_9:
0x169: {  	[hbm4b:s28+s3] =	stream.linear.scatter [tilespmem:s1], [sflag:$0x4], $0x80, $0x38;
	[tilespmem:$0x19E00] =	vst v63  }
0x16a: {  	s1 =	smov.u32 s24;
	s24 =	smov.u32 s0  }
0x16b: {  	s26 =	sadd.s32 $0x2200, s0;
	s24 =	sshra.s32 s24, $0x2;
	s28 =	sadd.s32 $0x12800, s1  }
0x16c: {  	[hbm4b:s25+s3] =	stream.linear.scatter [tilespmem:s28], [sflag:$0x4], $0x80, $0x38;
	[tilespmem:$0x19E00] =	vst v63  }
0x16d: {  	p0 =	sne.s32 s0, $0xEE00;
	s0 =	sadd.s32 $0x12888, s1;
	s28 =	sadd.s32 $0x10, s25  }
0x16e: {  	[hbm4b:s28+s3] =	stream.linear.scatter [tilespmem:s0], [sflag:$0x4], $0x80, $0x38;
	[tilespmem:$0x19E00] =	vst v63  }
0x16f: {  	s0 =	sadd.s32 $0x12910, s1;
	s28 =	sadd.s32 $0x20, s25  }
0x170: {  	[hbm4b:s28+s3] =	stream.linear.scatter [tilespmem:s0], [sflag:$0x4], $0x80, $0x38;
	[tilespmem:$0x19E00] =	vst v63  }
0x171: {  	s0 =	sadd.s32 $0x12998, s1;
	s28 =	sadd.s32 $0x30, s25  }
0x172: {  	[hbm4b:s28+s3] =	stream.linear.scatter [tilespmem:s0], [sflag:$0x4], $0x80, $0x38;
	[tilespmem:$0x19E00] =	vst v63  }
0x173: {  	s0 =	sadd.s32 $0x12A20, s1;
	s28 =	sadd.s32 $0x40, s25  }
0x174: {  	[hbm4b:s28+s3] =	stream.linear.scatter [tilespmem:s0], [sflag:$0x4], $0x80, $0x38;
	[tilespmem:$0x19E00] =	vst v63  }
0x175: {  	s0 =	sadd.s32 $0x12AA8, s1;
	s28 =	sadd.s32 $0x50, s25  }
0x176: {  	[hbm4b:s28+s3] =	stream.linear.scatter [tilespmem:s0], [sflag:$0x4], $0x80, $0x38;
	[tilespmem:$0x19E00] =	vst v63  }
0x177: {  	s0 =	sadd.s32 $0x12B30, s1;
	s28 =	sadd.s32 $0x60, s25  }
0x178: {  	[hbm4b:s28+s3] =	stream.linear.scatter [tilespmem:s0], [sflag:$0x4], $0x80, $0x38;
	[tilespmem:$0x19E00] =	vst v63  }
0x179: {  	s0 =	sadd.s32 $0x12BB8, s1;
	s28 =	sadd.s32 $0x70, s25  }
0x17a: {  	[hbm4b:s28+s3] =	stream.linear.scatter [tilespmem:s0], [sflag:$0x4], $0x80, $0x38;
	[tilespmem:$0x19E00] =	vst v63  }
0x17b: {  	s0 =	sadd.s32 $0x12C40, s1;
	s28 =	sadd.s32 $0x80, s25  }
0x17c: {  	[hbm4b:s28+s3] =	stream.linear.scatter [tilespmem:s0], [sflag:$0x4], $0x80, $0x38;
	[tilespmem:$0x19E00] =	vst v63  }
0x17d: {  	s0 =	sadd.s32 $0x12CC8, s1;
	s28 =	sadd.s32 $0x90, s25  }
0x17e: {  	[hbm4b:s28+s3] =	stream.linear.scatter [tilespmem:s0], [sflag:$0x4], $0x80, $0x38;
	[tilespmem:$0x19E00] =	vst v63  }
0x17f: {  	s0 =	sadd.s32 $0x12D50, s1;
	s28 =	sadd.s32 $0xA0, s25  }
0x180: {  	[hbm4b:s28+s3] =	stream.linear.scatter [tilespmem:s0], [sflag:$0x4], $0x80, $0x38;
	[tilespmem:$0x19E00] =	vst v63  }
0x181: {  	s0 =	sadd.s32 $0x12DD8, s1;
	s28 =	sadd.s32 $0xB0, s25  }
0x182: {  	[hbm4b:s28+s3] =	stream.linear.scatter [tilespmem:s0], [sflag:$0x4], $0x80, $0x38;
	[tilespmem:$0x19E00] =	vst v63  }
0x183: {  	s0 =	sadd.s32 $0x12E60, s1;
	s28 =	sadd.s32 $0xC0, s25  }
0x184: {  	[hbm4b:s28+s3] =	stream.linear.scatter [tilespmem:s0], [sflag:$0x4], $0x80, $0x38;
	[tilespmem:$0x19E00] =	vst v63  }
.Ltmp3:
0x185: {  	s0 =	sadd.s32 $0x12EE8, s1;
	s28 =	sadd.s32 $0xD0, s25;
	(pc) =	sbr.rel @p0 .LBB2_9-.Ltmp3, $4  }
0x186: {  	[hbm4b:s28+s3] =	stream.linear.scatter [tilespmem:s0], [sflag:$0x4], $0x80, $0x38;
	[tilespmem:$0x19E00] =	vst v63  }
0x187: {  	s0 =	sadd.s32 $0x12F70, s1;
	s28 =	sadd.s32 $0xE0, s25;
	s1 =	sadd.s32 $0x12FF8, s1  }
0x188: {  	[hbm4b:s28+s3] =	stream.linear.scatter [tilespmem:s0], [sflag:$0x4], $0x80, $0x38;
	[tilespmem:$0x19E00] =	vst v63  }
0x189: {  	s28 =	sadd.s32 $0xF0, s25;
	s25 =	sadd.s32 $0x1000, s25;
	s0 =	smov.u32 s26  }
0x18a: {  	[hbm4b:s28+s3] =	stream.linear.scatter [tilespmem:s1], [sflag:$0x4], $0x80, $0x38;
	[tilespmem:$0x19E00] =	vst v63  }
0x18b: {  	s0 =	sadd.s32 $0x12800, s24  }
0x18c: {  	[hbm4b:s25+s3] =	stream.linear.scatter [tilespmem:s0], [sflag:$0x4], $0x80, $0x38;
	[tilespmem:$0x19E00] =	vst v63  }
0x18d: {  	s1 =	sadd.s32 $0x12888, s24;
	s26 =	sadd.s32 $0x10, s25  }
0x18e: {  	[hbm4b:s26+s3] =	stream.linear.scatter [tilespmem:s1], [sflag:$0x4], $0x80, $0x38;
	[tilespmem:$0x19E00] =	vst v63  }
0x18f: {  	s28 =	sadd.s32 $0x12910, s24;
	s29 =	sadd.s32 $0x20, s25  }
0x190: {  	[hbm4b:s29+s3] =	stream.linear.scatter [tilespmem:s28], [sflag:$0x4], $0x80, $0x38;
	[tilespmem:$0x19E00] =	vst v63  }
0x191: {  	s30 =	sadd.s32 $0x12998, s24;
	s31 =	sadd.s32 $0x30, s25  }
0x192: {  	[hbm4b:s31+s3] =	stream.linear.scatter [tilespmem:s30], [sflag:$0x4], $0x80, $0x38;
	[tilespmem:$0x19E00] =	vst v63  }
0x193: {  	s1 =	sadd.s32 $0x12A20, s24;
	s26 =	sadd.s32 $0x40, s25  }
0x194: {  	[hbm4b:s26+s3] =	stream.linear.scatter [tilespmem:s1], [sflag:$0x4], $0x80, $0x38;
	[tilespmem:$0x19E00] =	vst v63  }
0x195: {  	s28 =	sadd.s32 $0x12AA8, s24;
	s29 =	sadd.s32 $0x50, s25  }
0x196: {  	[hbm4b:s29+s3] =	stream.linear.scatter [tilespmem:s28], [sflag:$0x4], $0x80, $0x38;
	[tilespmem:$0x19E00] =	vst v63  }
0x197: {  	s30 =	sadd.s32 $0x12B30, s24;
	s31 =	sadd.s32 $0x60, s25  }
0x198: {  	[hbm4b:s31+s3] =	stream.linear.scatter [tilespmem:s30], [sflag:$0x4], $0x80, $0x38;
	[tilespmem:$0x19E00] =	vst v63  }
0x199: {  	s1 =	sadd.s32 $0x12BB8, s24;
	s26 =	sadd.s32 $0x70, s25  }
0x19a: {  	[hbm4b:s26+s3] =	stream.linear.scatter [tilespmem:s1], [sflag:$0x4], $0x80, $0x38;
	[tilespmem:$0x19E00] =	vst v63  }
0x19b: {  	s28 =	sadd.s32 $0x12C40, s24;
	s29 =	sadd.s32 $0x80, s25  }
0x19c: {  	[hbm4b:s29+s3] =	stream.linear.scatter [tilespmem:s28], [sflag:$0x4], $0x80, $0x38;
	[tilespmem:$0x19E00] =	vst v63  }
0x19d: {  	s30 =	sadd.s32 $0x12CC8, s24;
	s31 =	sadd.s32 $0x90, s25  }
0x19e: {  	[hbm4b:s31+s3] =	stream.linear.scatter [tilespmem:s30], [sflag:$0x4], $0x80, $0x38;
	[tilespmem:$0x19E00] =	vst v63  }
0x19f: {  	s1 =	sadd.s32 $0x12D50, s24;
	s26 =	sadd.s32 $0xA0, s25  }
0x1a0: {  	[hbm4b:s26+s3] =	stream.linear.scatter [tilespmem:s1], [sflag:$0x4], $0x80, $0x38;
	[tilespmem:$0x19E00] =	vst v63  }
0x1a1: {  	s28 =	sadd.s32 $0x12DD8, s24;
	s29 =	sadd.s32 $0xB0, s25  }
0x1a2: {  	[hbm4b:s29+s3] =	stream.linear.scatter [tilespmem:s28], [sflag:$0x4], $0x80, $0x38;
	[tilespmem:$0x19E00] =	vst v63  }
0x1a3: {  	s23 =	sadd.s32 $0x1, s23;
	s30 =	sadd.s32 $0x12E60, s24;
	s31 =	sadd.s32 $0xC0, s25  }
0x1a4: {  	[hbm4b:s31+s3] =	stream.linear.scatter [tilespmem:s30], [sflag:$0x4], $0x80, $0x38;
	[tilespmem:$0x19E00] =	vst v63  }
0x1a5: {  	p0 =	sne.s32 s23, $0x32;
	s1 =	sadd.s32 $0x12EE8, s24;
	s26 =	sadd.s32 $0xD0, s25  }
0x1a6: {  	[hbm4b:s26+s3] =	stream.linear.scatter [tilespmem:s1], [sflag:$0x4], $0x80, $0x38;
	[tilespmem:$0x19E00] =	vst v63  }
.Ltmp4:
0x1a7: {  	_ = 	snop;
	(pc) =	sbr.rel @p0 .LBB2_2-.Ltmp4, $4  }
0x1a8: {  	s28 =	sadd.s32 $0x12F70, s24;
	s29 =	sadd.s32 $0xE0, s25  }
0x1a9: {  	[hbm4b:s29+s3] =	stream.linear.scatter [tilespmem:s28], [sflag:$0x4], $0x80, $0x38;
	[tilespmem:$0x19E00] =	vst v63  }
0x1aa: {  	s30 =	sadd.s32 $0x12FF8, s24;
	s31 =	sadd.s32 $0xF0, s25  }
0x1ab: {  	[hbm4b:s31+s3] =	stream.linear.scatter [tilespmem:s30], [sflag:$0x4], $0x80, $0x38;
	[tilespmem:$0x19E00] =	vst v63  }
0x1ac: {  	s22 =	sadd.s32 $0x1, s22  }
0x1ad: {  	_ =	swait.ge [sflag:s20], $0x4000;
	p0 =	sne.s32 s22, s8  }
.Ltmp5:
0x1ae: {  	[sflag:s20] =	ssyncset.done $0x0;
	(pc) =	sbr.rel @p0 .LBB2_1-.Ltmp5, $4  }
0x1af: {  	[sflag:s20] =	ssyncadd.s32 $0xFFFFC000  }
0x1b0: {  	_ =	swait.ge [sflag:s21], $0x4000  }
0x1b1: {  	[sflag:s21] =	ssyncset.done $0x0  }
0x1b2: {  	[sflag:s21] =	ssyncadd.s32 $0xFFFFC000  }
0x1b3: {  	_ =	sfence.sel $0x180000  }
0x1b4: {  	[bflag:$0x0] =	sbarrier.arrive $0xFFFF  }
0x1b5: {  	_ =	strace $0x90000047  }
0x1b6: {  	s0 =	stileid.u32;
	[bflag:$0x2] =	sbarrier.arrive $0xFFFF  }
0x1b7: {  	p0 =	sne.s32 s0, $0x0;
	s0 =	rddreg [dreg:$0x2]  }
0x1b8: {  	s0 =	sadd.s32 @!p0 $0x100000, s0  }
0x1b9: {  	[sflag:s0] =	ssyncadd.tile.s32 @!p0 $0x1;
	_ =	shalt  }
.Lfunc_end2:
_tile_overlayer_lowered:
.L_overlay_start_2:
0x1ba: {  	(tag) =	ssettag $0x2  }
0x1bb: {  	s0 =	rddreg [dreg:$0x0];
	s2 =	stileid.u32  }
0x1bc: {  	s1 =	rddreg [dreg:$0x1];
	p0 =	sne.s32 s2, $0x0  }
0x1bd: {  	s3 =	rddreg [dreg:$0x2];
	[bflag:$0x3] =	sbarrier.arrive $0xFFFF;
	s2 =	simm.s32 @!p0 $0x1C05  }
0x1be: {  	[timem:s3], [sflag:s2] =	dma.local @!p0 [hbm:s0], s1  }
0x1bf: {  	s0 =	simm.s32 @!p0 $0x5  }
0x1c0: {  	_ =	swait.ge @!p0 [sflag:s0], s1  }
0x1c1: {  	s1 =	ssub.s32 @!p0 $0x0, s1;
	[sflag:s0] =	ssyncset.done @!p0 $0x0  }
0x1c2: {  	[sflag:s0] =	ssyncadd.s32 @!p0 s1  }
0x1c3: {  	[bflag:$0x3] =	sbarrier.arrive $0xFFFF  }
0x1c4: {  	_ =	shalt  }

</sc_bundles>
